<compile_context>
chip_gen: v7x
topology: tpu7x:2x2x1
jax: 0.10.2.dev20260603
libtpu: 0.0.44.dev20260713+nightly
codegen_flags: <defaults>
</compile_context>

<pallas_src>
import functools

import jax
import jax.numpy as jnp
from jax import lax
from jax.experimental import pallas as pl
from jax.experimental.pallas import tpu as pltpu
from jax.experimental.pallas import tpu_sc as plsc

_NC = 2
_NS = 16
_NW = _NC * _NS
_CH = 128


def _sc_gather(flat_idx, row16, lo16, emb2_flat, emb1_rows):
  FB = flat_idx.shape[0]
  E = emb2_flat.shape[1]
  rows_per_w = FB // _NW
  n_chunks = rows_per_w // _CH
  assert rows_per_w % _CH == 0

  mesh = plsc.VectorSubcoreMesh(core_axis_name="c", subcore_axis_name="s")

  @functools.partial(
      pl.kernel,
      out_type=(
          jax.ShapeDtypeStruct((FB, E), jnp.float32),
          jax.ShapeDtypeStruct((FB,), jnp.float32),
      ),
      mesh=mesh,
      compiler_params=pltpu.CompilerParams(
          use_tc_tiling_on_sc=False, needs_layout_passes=False),
      scratch_types=[
          pltpu.VMEM((_CH,), jnp.int32),
          pltpu.VMEM((_CH,), jnp.int32),
          pltpu.VMEM((_CH,), jnp.int32),
          pltpu.VMEM((_CH, E), jnp.float32),
          pltpu.VMEM((_CH, 16), jnp.float32),
          pltpu.VMEM((_CH,), jnp.float32),
          pltpu.SemaphoreType.DMA,
          pltpu.SemaphoreType.DMA,
      ],
  )
  def sc_k(fidx_hbm, ridx_hbm, lo_hbm, emb2_hbm, e1_hbm, g_out, v_out,
           fidx_v, ridx_v, lo_v, rows_v, vals16_v, vals_v, sem_a, sem_b):
    wid = lax.axis_index("s") * _NC + lax.axis_index("c")
    base = wid * rows_per_w

    def body(c, carry):
      off = base + c * _CH
      pltpu.sync_copy(fidx_hbm.at[pl.ds(off, _CH)], fidx_v)
      pltpu.sync_copy(ridx_hbm.at[pl.ds(off, _CH)], ridx_v)
      pltpu.sync_copy(lo_hbm.at[pl.ds(off, _CH)], lo_v)
      cp_a = pltpu.async_copy(emb2_hbm.at[fidx_v], rows_v, sem_a)
      cp_b = pltpu.async_copy(e1_hbm.at[ridx_v], vals16_v, sem_b)
      cp_a.wait()
      cp_b.wait()
      for t in range(_CH // 16):
        rowids = lax.iota(jnp.int32, 16) + t * 16
        lanes = lo_v[pl.ds(t * 16, 16)]
        vals_v[pl.ds(t * 16, 16)] = plsc.load_gather(
            vals16_v, [rowids, lanes])
      pltpu.sync_copy(rows_v, g_out.at[pl.ds(off, _CH)])
      pltpu.sync_copy(vals_v, v_out.at[pl.ds(off, _CH)])
      return carry

    lax.fori_loop(0, n_chunks, body, 0)

  return sc_k(flat_idx, row16, lo16, emb2_flat, emb1_rows)


def _tc_body(g_ref, v_ref, d_ref, wld_ref, bld_ref, wa1_ref, ba1_ref,
             wa2_ref, wf_ref, bf_ref, wl_ref, bl_ref, of_ref, ol_ref):
  Fdim, BB, E = g_ref.shape
  L = v_ref.shape[2]
  i = pl.program_id(0)
  gv = g_ref[...]
  wa1 = wa1_ref[...]
  ba1 = ba1_ref[...]
  wa2 = wa2_ref[...]

  chunks = [[1]] + [[d, Fdim + 1 - d] for d in range(2, Fdim // 2 + 1)]
  pc = Fdim - 1

  m = jnp.full((BB,), -jnp.inf, dtype=jnp.float32)
  den = jnp.zeros((BB,), dtype=jnp.float32)
  num = jnp.zeros((BB,), dtype=jnp.float32)
  for ds in chunks:
    prods = [(gv[:Fdim - d] * gv[d:]).reshape((Fdim - d) * BB, E)
             for d in ds]
    p2 = prods[0] if len(prods) == 1 else jnp.concatenate(prods, axis=0)
    z = jnp.maximum(
        jnp.dot(p2, wa1, preferred_element_type=jnp.float32) + ba1, 0.0)
    z3 = (z * wa2).reshape(pc, BB, E)
    p3 = p2.reshape(pc, BB, E)
    s_d = jnp.sum(z3, axis=2)
    rs_d = jnp.sum(p3, axis=2)
    m_new = jnp.maximum(m, jnp.max(s_d, axis=0))
    scale = jnp.exp(m - m_new)
    e_d = jnp.exp(s_d - m_new[None, :])
    den = den * scale + jnp.sum(e_d, axis=0)
    num = num * scale + jnp.sum(e_d * rs_d, axis=0)
    m = m_new

  afm = num / den
  nb = BB // L
  vblk = v_ref[:, pl.ds(i * nb, nb), :]
  first2 = jnp.sum(vblk, axis=0)
  first = jnp.concatenate([first2[k] for k in range(nb)], axis=0)
  ld = jnp.sum(d_ref[...] * wld_ref[...], axis=0) + bld_ref[0]
  logits = ld + first + afm
  of_ref[...] = jax.nn.sigmoid(logits * wf_ref[0] + bf_ref[0])
  ol_ref[...] = jax.nn.sigmoid(logits * wl_ref[0] + bl_ref[0])


def _tc_afm(g, v3, dense_T, W_ld, b_ld, W_a1, b_a1, W_a2,
            W_f, b_f, W_l, b_l, interpret=False):
  Fdim, B, E = g.shape
  D = dense_T.shape[0]
  L = v3.shape[2]
  BB = 256
  grid = B // BB
  NR = B // L
  smem = pl.BlockSpec(memory_space=pltpu.SMEM)
  return pl.pallas_call(
      _tc_body,
      grid=(grid,),
      in_specs=[
          pl.BlockSpec((Fdim, BB, E), lambda i: (0, i, 0)),
          pl.BlockSpec((Fdim, NR, L), lambda i: (0, 0, 0)),
          pl.BlockSpec((D, BB), lambda i: (0, i)),
          pl.BlockSpec((D, 1), lambda i: (0, 0)),
          smem,
          pl.BlockSpec((E, E), lambda i: (0, 0)),
          pl.BlockSpec((1, E), lambda i: (0, 0)),
          pl.BlockSpec((1, E), lambda i: (0, 0)),
          smem,
          smem,
          smem,
          smem,
      ],
      out_specs=[
          pl.BlockSpec((BB,), lambda i: (i,)),
          pl.BlockSpec((BB,), lambda i: (i,)),
      ],
      out_shape=[jax.ShapeDtypeStruct((B,), jnp.float32)] * 2,
      interpret=interpret,
  )(g, v3, dense_T, W_ld, b_ld, W_a1, b_a1.reshape(1, E),
    W_a2.reshape(1, E), W_f.reshape(1), b_f, W_l.reshape(1), b_l)


def kernel(sparse_inputs, dense_inputs, emb1, emb2, W_ld, b_ld, W_a1, b_a1,
           W_a2, b_a2, W_f, b_f, W_l, b_l):
  F, V, E = emb2.shape
  B = sparse_inputs.shape[0]
  L = 128

  idxT = sparse_inputs.T.astype(jnp.int32)
  flat_idx = (idxT + (jnp.arange(F, dtype=jnp.int32) * V)[:, None]).reshape(-1)
  row16 = flat_idx // 16
  lo16 = flat_idx % 16
  emb2_flat = emb2.reshape(F * V, E)
  emb1_rows = emb1.reshape(F * V // 16, 16)

  g_flat, v_flat = _sc_gather(flat_idx, row16, lo16, emb2_flat, emb1_rows)
  g = g_flat.reshape(F, B, E)
  v3 = v_flat.reshape(F, B // L, L)

  fo, lo = _tc_afm(g, v3, dense_inputs.T, W_ld, b_ld, W_a1, b_a1, W_a2,
                   W_f, b_f, W_l, b_l)
  return fo.reshape(B, 1), lo.reshape(B, 1)

# --- scband reference (transcript-rebuilt; emitter-appended) ---
"""Pipeline reference for scband-afm-embedding-28733331210611 (READ-ONLY COPY).

The authoritative reference and input builder live on the scoring server;
editing this copy changes nothing except your own understanding.
"""

import jax, jax.numpy as jnp
import numpy as np

B = 4096
F = 26
D = 13
V = 100000
E = 64


def setup_inputs(seed: int = 0) -> dict:
    key = jax.random.key(seed)
    ks = jax.random.split(key, 14)
    sparse_inputs = jax.random.randint(ks[0], (B, F), 0, V)
    dense_inputs = jax.random.normal(ks[1], (B, D), dtype=jnp.float32)
    emb1 = jax.random.normal(ks[2], (F, V, 1), dtype=jnp.float32) * 0.05
    emb2 = jax.random.normal(ks[3], (F, V, E), dtype=jnp.float32) * 0.05
    W_ld = jax.random.normal(ks[4], (D, 1), dtype=jnp.float32) * 0.1
    b_ld = jnp.zeros((1,), dtype=jnp.float32)
    W_a1 = jax.random.normal(ks[5], (E, 64), dtype=jnp.float32) * 0.1
    b_a1 = jnp.zeros((64,), dtype=jnp.float32)
    W_a2 = jax.random.normal(ks[6], (64, 1), dtype=jnp.float32) * 0.1
    b_a2 = jnp.zeros((1,), dtype=jnp.float32)
    W_f = jax.random.normal(ks[7], (1, 1), dtype=jnp.float32) * 0.1
    b_f = jnp.zeros((1,), dtype=jnp.float32)
    W_l = jax.random.normal(ks[8], (1, 1), dtype=jnp.float32) * 0.1
    b_l = jnp.zeros((1,), dtype=jnp.float32)
    return {
        'sparse_inputs': sparse_inputs,
        'dense_inputs': dense_inputs,
        'emb1': emb1,
        'emb2': emb2,
        'W_ld': W_ld, 'b_ld': b_ld,
        'W_a1': W_a1, 'b_a1': b_a1,
        'W_a2': W_a2, 'b_a2': b_a2,
        'W_f': W_f, 'b_f': b_f,
        'W_l': W_l, 'b_l': b_l,
    }


def reference(sparse_inputs, dense_inputs, emb1, emb2, W_ld, b_ld, W_a1, b_a1, W_a2, b_a2, W_f, b_f, W_l, b_l):
    f = sparse_inputs.shape[1]
    # first order
    linear_dense_out = dense_inputs @ W_ld + b_ld  # [B, 1]
    first_emb = jnp.stack([emb1[i][sparse_inputs[:, i], 0] for i in range(f)], axis=1)  # [B, F]
    linear_sparse_out = jnp.sum(first_emb, axis=1, keepdims=True)  # [B, 1]
    first_order_output = linear_dense_out + linear_sparse_out
    # second order embeddings
    embeddings = jnp.stack([emb2[i][sparse_inputs[:, i]] for i in range(f)], axis=1)  # [B, F, E]
    ii, jj = np.triu_indices(f, 1)
    element_wise_products = embeddings[:, ii, :] * embeddings[:, jj, :]  # [B, P, E]
    attention_temp = jax.nn.relu(element_wise_products @ W_a1 + b_a1)  # [B, P, 64]
    attention_scores = attention_temp @ W_a2 + b_a2  # [B, P, 1]
    attention_weights = jax.nn.softmax(attention_scores, axis=1)
    attention_output = jnp.sum(attention_weights * element_wise_products, axis=1)  # [B, E]
    afm_out = jnp.sum(attention_output, axis=1, keepdims=True)  # [B, 1]
    logits = first_order_output + afm_out
    finish_output = jax.nn.sigmoid(logits @ W_f + b_f)
    like_output = jax.nn.sigmoid(logits @ W_l + b_l)
    return (finish_output, like_output)

if __name__ == "__main__":
    import jax
    _d = setup_inputs()
    print(jax.jit(kernel)(*tuple(_d.values())))

</pallas_src>

<mosaic_0001>
#map = affine_map<(d0, d1) -> (0)>
#map1 = affine_map<(d0, d1) -> (0, 0)>
module attributes {stable_mosaic.version = 14 : i64} {
  func.func @sc_k(%arg0: i32, %arg1: i32, %arg2: memref<106496xi32, #tpu.memory_space<hbm>>, %arg3: memref<106496xi32, #tpu.memory_space<hbm>>, %arg4: memref<106496xi32, #tpu.memory_space<hbm>>, %arg5: memref<2600000x64xf32, #tpu.memory_space<hbm>>, %arg6: memref<162500x16xf32, #tpu.memory_space<hbm>>, %arg7: memref<106496x64xf32, #tpu.memory_space<hbm>>, %arg8: memref<106496xf32, #tpu.memory_space<hbm>>, %arg9: memref<128xi32, #tpu.memory_space<vmem>>, %arg10: memref<128xi32, #tpu.memory_space<vmem>>, %arg11: memref<128xi32, #tpu.memory_space<vmem>>, %arg12: memref<128x64xf32, #tpu.memory_space<vmem>>, %arg13: memref<128x16xf32, #tpu.memory_space<vmem>>, %arg14: memref<128xf32, #tpu.memory_space<vmem>>, %arg15: memref<!tpu.dma_semaphore, #tpu.memory_space<semaphore_mem>>, %arg16: memref<!tpu.dma_semaphore, #tpu.memory_space<semaphore_mem>>) attributes {dimension_semantics = [#tpu.dimension_semantics<core_parallel>, #tpu.dimension_semantics<subcore_parallel>], iteration_bounds = array<i64: 2, 16>, scalar_prefetch = 0 : i64, scratch_operands = 8 : i64, tpu.core_type = #tpu.core_type<sc_vector_subcore>, window_params = [{transform_indices = #map}, {transform_indices = #map}, {transform_indices = #map}, {transform_indices = #map1}, {transform_indices = #map1}, {transform_indices = #map1}, {transform_indices = #map}]} {
    %mul3A = arith.constant 2 : i32
    %mul3A_0 = arith.muli %arg1, %mul3A : i32
    %add3A = arith.addi %mul3A_0, %arg0 : i32
    %mul3A_1 = arith.constant 3328 : i32
    %mul3A_2 = arith.muli %add3A, %mul3A_1 : i32
    %scan3A = arith.constant 0 : i32
    %scan3A_3 = arith.constant 0 : i32
    %scan3A_4 = arith.constant 26 : i32
    %scan3A_5 = arith.addi %scan3A_3, %scan3A_4 : i32
    %scan3A_6 = arith.constant 1 : i32
    scf.for %scan3A_8 = %scan3A_3 to %scan3A_5 step %scan3A_6  : i32 {
      %mul3A_9 = arith.constant 128 : i32
      %mul3A_10 = arith.muli %scan3A_8, %mul3A_9 : i32
      %add3A_11 = arith.addi %mul3A_2, %mul3A_10 : i32
      "tpu.region"() ({
        %run_scoped3A = tpu.sem_alloc : memref<!tpu.dma_semaphore, #tpu.memory_space<semaphore_mem>>
        %dma_start3A_90 = tpu.memref_slice %arg2[%add3A_11] : memref<106496xi32, #tpu.memory_space<hbm>> -> memref<128xi32, #tpu.memory_space<hbm>>
        %dma_start3A_91 = tpu.memref_slice %arg2[%add3A_11] : memref<106496xi32, #tpu.memory_space<hbm>> -> memref<128xi32, #tpu.memory_space<hbm>>
        tpu.enqueue_dma source(%dma_start3A_91 : memref<128xi32, #tpu.memory_space<hbm>>) target(%arg9 : memref<128xi32, #tpu.memory_space<vmem>>) target_semaphore(%run_scoped3A : memref<!tpu.dma_semaphore, #tpu.memory_space<semaphore_mem>>)
        %dma_wait3A_92 = tpu.memref_slice %arg2[%add3A_11] : memref<106496xi32, #tpu.memory_space<hbm>> -> memref<128xi32, #tpu.memory_space<hbm>>
        %dma_wait3A_93 = tpu.memref_slice %arg2[%add3A_11] : memref<106496xi32, #tpu.memory_space<hbm>> -> memref<128xi32, #tpu.memory_space<hbm>>
        tpu.wait_dma2 semaphore(%run_scoped3A : memref<!tpu.dma_semaphore, #tpu.memory_space<semaphore_mem>>) src(%dma_wait3A_93 : memref<128xi32, #tpu.memory_space<hbm>>) dst(%arg9 : memref<128xi32, #tpu.memory_space<vmem>>)
        tpu.yield
      }) : () -> ()
      "tpu.region"() ({
        %run_scoped3A = tpu.sem_alloc : memref<!tpu.dma_semaphore, #tpu.memory_space<semaphore_mem>>
        %dma_start3A_90 = tpu.memref_slice %arg3[%add3A_11] : memref<106496xi32, #tpu.memory_space<hbm>> -> memref<128xi32, #tpu.memory_space<hbm>>
        %dma_start3A_91 = tpu.memref_slice %arg3[%add3A_11] : memref<106496xi32, #tpu.memory_space<hbm>> -> memref<128xi32, #tpu.memory_space<hbm>>
        tpu.enqueue_dma source(%dma_start3A_91 : memref<128xi32, #tpu.memory_space<hbm>>) target(%arg10 : memref<128xi32, #tpu.memory_space<vmem>>) target_semaphore(%run_scoped3A : memref<!tpu.dma_semaphore, #tpu.memory_space<semaphore_mem>>)
        %dma_wait3A_92 = tpu.memref_slice %arg3[%add3A_11] : memref<106496xi32, #tpu.memory_space<hbm>> -> memref<128xi32, #tpu.memory_space<hbm>>
        %dma_wait3A_93 = tpu.memref_slice %arg3[%add3A_11] : memref<106496xi32, #tpu.memory_space<hbm>> -> memref<128xi32, #tpu.memory_space<hbm>>
        tpu.wait_dma2 semaphore(%run_scoped3A : memref<!tpu.dma_semaphore, #tpu.memory_space<semaphore_mem>>) src(%dma_wait3A_93 : memref<128xi32, #tpu.memory_space<hbm>>) dst(%arg10 : memref<128xi32, #tpu.memory_space<vmem>>)
        tpu.yield
      }) : () -> ()
      "tpu.region"() ({
        %run_scoped3A = tpu.sem_alloc : memref<!tpu.dma_semaphore, #tpu.memory_space<semaphore_mem>>
        %dma_start3A_90 = tpu.memref_slice %arg4[%add3A_11] : memref<106496xi32, #tpu.memory_space<hbm>> -> memref<128xi32, #tpu.memory_space<hbm>>
        %dma_start3A_91 = tpu.memref_slice %arg4[%add3A_11] : memref<106496xi32, #tpu.memory_space<hbm>> -> memref<128xi32, #tpu.memory_space<hbm>>
        tpu.enqueue_dma source(%dma_start3A_91 : memref<128xi32, #tpu.memory_space<hbm>>) target(%arg11 : memref<128xi32, #tpu.memory_space<vmem>>) target_semaphore(%run_scoped3A : memref<!tpu.dma_semaphore, #tpu.memory_space<semaphore_mem>>)
        %dma_wait3A_92 = tpu.memref_slice %arg4[%add3A_11] : memref<106496xi32, #tpu.memory_space<hbm>> -> memref<128xi32, #tpu.memory_space<hbm>>
        %dma_wait3A_93 = tpu.memref_slice %arg4[%add3A_11] : memref<106496xi32, #tpu.memory_space<hbm>> -> memref<128xi32, #tpu.memory_space<hbm>>
        tpu.wait_dma2 semaphore(%run_scoped3A : memref<!tpu.dma_semaphore, #tpu.memory_space<semaphore_mem>>) src(%dma_wait3A_93 : memref<128xi32, #tpu.memory_space<hbm>>) dst(%arg11 : memref<128xi32, #tpu.memory_space<vmem>>)
        tpu.yield
      }) : () -> ()
      %dma_start3A = arith.constant 0 : i32
      %dma_start3A_12 = arith.constant 0 : i32
      %dma_start3A_13 = tpu.memref_slice %arg5[%dma_start3A, %dma_start3A_12] : memref<2600000x64xf32, #tpu.memory_space<hbm>> -> memref<2600000x64xf32, #tpu.memory_space<hbm>>
      tpu.enqueue_indirect_dma source(%dma_start3A_13 : memref<2600000x64xf32, #tpu.memory_space<hbm>>) target(%arg12 : memref<128x64xf32, #tpu.memory_space<vmem>>) offsets(%arg9 : memref<128xi32, #tpu.memory_space<vmem>>) semaphore(%arg15 : memref<!tpu.dma_semaphore, #tpu.memory_space<semaphore_mem>>)
      %dma_start3A_14 = arith.constant 0 : i32
      %dma_start3A_15 = arith.constant 0 : i32
      %dma_start3A_16 = tpu.memref_slice %arg6[%dma_start3A_14, %dma_start3A_15] : memref<162500x16xf32, #tpu.memory_space<hbm>> -> memref<162500x16xf32, #tpu.memory_space<hbm>>
      tpu.enqueue_indirect_dma source(%dma_start3A_16 : memref<162500x16xf32, #tpu.memory_space<hbm>>) target(%arg13 : memref<128x16xf32, #tpu.memory_space<vmem>>) offsets(%arg10 : memref<128xi32, #tpu.memory_space<vmem>>) semaphore(%arg16 : memref<!tpu.dma_semaphore, #tpu.memory_space<semaphore_mem>>)
      %dma_wait3A = arith.constant 0 : i32
      %dma_wait3A_17 = arith.constant 0 : i32
      %dma_wait3A_18 = tpu.memref_slice %arg5[%dma_wait3A, %dma_wait3A_17] : memref<2600000x64xf32, #tpu.memory_space<hbm>> -> memref<2600000x64xf32, #tpu.memory_space<hbm>>
      tpu.wait_indirect_dma semaphore(%arg15 : memref<!tpu.dma_semaphore, #tpu.memory_space<semaphore_mem>>) src(%dma_wait3A_18 : memref<2600000x64xf32, #tpu.memory_space<hbm>>) dst(%arg12 : memref<128x64xf32, #tpu.memory_space<vmem>>)
      %dma_wait3A_19 = arith.constant 0 : i32
      %dma_wait3A_20 = arith.constant 0 : i32
      %dma_wait3A_21 = tpu.memref_slice %arg6[%dma_wait3A_19, %dma_wait3A_20] : memref<162500x16xf32, #tpu.memory_space<hbm>> -> memref<162500x16xf32, #tpu.memory_space<hbm>>
      tpu.wait_indirect_dma semaphore(%arg16 : memref<!tpu.dma_semaphore, #tpu.memory_space<semaphore_mem>>) src(%dma_wait3A_21 : memref<162500x16xf32, #tpu.memory_space<hbm>>) dst(%arg13 : memref<128x16xf32, #tpu.memory_space<vmem>>)
      %iota3A = tpu.iota {dimensions = array<i32: 0>} : vector<16xi32>
      %add3A_22 = arith.constant 0 : i32
      %add3A_23 = vector.broadcast %add3A_22 : i32 to vector<16xi32>
      %add3A_24 = arith.addi %iota3A, %add3A_23 : vector<16xi32>
      %get3A = arith.constant 0 : index
      %get3A_25 = tpu.vector_load %arg11[%get3A] {strides = array<i32>} : memref<128xi32, #tpu.memory_space<vmem>>, vector<16xi32>,
      %gather3A = tpu.vector_load_idx %arg13[%add3A_24, %get3A_25] : memref<128x16xf32, #tpu.memory_space<vmem>>[vector<16xi32>, vector<16xi32>], vector<16xf32>,
      %swap3A = arith.constant 0 : index
      %swap3A_26 = tpu.vector_load %arg14[%swap3A] {strides = array<i32>} : memref<128xf32, #tpu.memory_space<vmem>>, vector<16xf32>,
      tpu.vector_store %arg14[%swap3A], %gather3A {strides = array<i32>} : memref<128xf32, #tpu.memory_space<vmem>>, vector<16xf32>,
      %iota3A_27 = tpu.iota {dimensions = array<i32: 0>} : vector<16xi32>
      %add3A_28 = arith.constant 16 : i32
      %add3A_29 = vector.broadcast %add3A_28 : i32 to vector<16xi32>
      %add3A_30 = arith.addi %iota3A_27, %add3A_29 : vector<16xi32>
      %get3A_31 = arith.constant 16 : index
      %get3A_32 = tpu.vector_load %arg11[%get3A_31] {strides = array<i32>} : memref<128xi32, #tpu.memory_space<vmem>>, vector<16xi32>,
      %gather3A_33 = tpu.vector_load_idx %arg13[%add3A_30, %get3A_32] : memref<128x16xf32, #tpu.memory_space<vmem>>[vector<16xi32>, vector<16xi32>], vector<16xf32>,
      %swap3A_34 = arith.constant 16 : index
      %swap3A_35 = tpu.vector_load %arg14[%swap3A_34] {strides = array<i32>} : memref<128xf32, #tpu.memory_space<vmem>>, vector<16xf32>,
      tpu.vector_store %arg14[%swap3A_34], %gather3A_33 {strides = array<i32>} : memref<128xf32, #tpu.memory_space<vmem>>, vector<16xf32>,
      %iota3A_36 = tpu.iota {dimensions = array<i32: 0>} : vector<16xi32>
      %add3A_37 = arith.constant 32 : i32
      %add3A_38 = vector.broadcast %add3A_37 : i32 to vector<16xi32>
      %add3A_39 = arith.addi %iota3A_36, %add3A_38 : vector<16xi32>
      %get3A_40 = arith.constant 32 : index
      %get3A_41 = tpu.vector_load %arg11[%get3A_40] {strides = array<i32>} : memref<128xi32, #tpu.memory_space<vmem>>, vector<16xi32>,
      %gather3A_42 = tpu.vector_load_idx %arg13[%add3A_39, %get3A_41] : memref<128x16xf32, #tpu.memory_space<vmem>>[vector<16xi32>, vector<16xi32>], vector<16xf32>,
      %swap3A_43 = arith.constant 32 : index
      %swap3A_44 = tpu.vector_load %arg14[%swap3A_43] {strides = array<i32>} : memref<128xf32, #tpu.memory_space<vmem>>, vector<16xf32>,
      tpu.vector_store %arg14[%swap3A_43], %gather3A_42 {strides = array<i32>} : memref<128xf32, #tpu.memory_space<vmem>>, vector<16xf32>,
      %iota3A_45 = tpu.iota {dimensions = array<i32: 0>} : vector<16xi32>
      %add3A_46 = arith.constant 48 : i32
      %add3A_47 = vector.broadcast %add3A_46 : i32 to vector<16xi32>
      %add3A_48 = arith.addi %iota3A_45, %add3A_47 : vector<16xi32>
      %get3A_49 = arith.constant 48 : index
      %get3A_50 = tpu.vector_load %arg11[%get3A_49] {strides = array<i32>} : memref<128xi32, #tpu.memory_space<vmem>>, vector<16xi32>,
      %gather3A_51 = tpu.vector_load_idx %arg13[%add3A_48, %get3A_50] : memref<128x16xf32, #tpu.memory_space<vmem>>[vector<16xi32>, vector<16xi32>], vector<16xf32>,
      %swap3A_52 = arith.constant 48 : index
      %swap3A_53 = tpu.vector_load %arg14[%swap3A_52] {strides = array<i32>} : memref<128xf32, #tpu.memory_space<vmem>>, vector<16xf32>,
      tpu.vector_store %arg14[%swap3A_52], %gather3A_51 {strides = array<i32>} : memref<128xf32, #tpu.memory_space<vmem>>, vector<16xf32>,
      %iota3A_54 = tpu.iota {dimensions = array<i32: 0>} : vector<16xi32>
      %add3A_55 = arith.constant 64 : i32
      %add3A_56 = vector.broadcast %add3A_55 : i32 to vector<16xi32>
      %add3A_57 = arith.addi %iota3A_54, %add3A_56 : vector<16xi32>
      %get3A_58 = arith.constant 64 : index
      %get3A_59 = tpu.vector_load %arg11[%get3A_58] {strides = array<i32>} : memref<128xi32, #tpu.memory_space<vmem>>, vector<16xi32>,
      %gather3A_60 = tpu.vector_load_idx %arg13[%add3A_57, %get3A_59] : memref<128x16xf32, #tpu.memory_space<vmem>>[vector<16xi32>, vector<16xi32>], vector<16xf32>,
      %swap3A_61 = arith.constant 64 : index
      %swap3A_62 = tpu.vector_load %arg14[%swap3A_61] {strides = array<i32>} : memref<128xf32, #tpu.memory_space<vmem>>, vector<16xf32>,
      tpu.vector_store %arg14[%swap3A_61], %gather3A_60 {strides = array<i32>} : memref<128xf32, #tpu.memory_space<vmem>>, vector<16xf32>,
      %iota3A_63 = tpu.iota {dimensions = array<i32: 0>} : vector<16xi32>
      %add3A_64 = arith.constant 80 : i32
      %add3A_65 = vector.broadcast %add3A_64 : i32 to vector<16xi32>
      %add3A_66 = arith.addi %iota3A_63, %add3A_65 : vector<16xi32>
      %get3A_67 = arith.constant 80 : index
      %get3A_68 = tpu.vector_load %arg11[%get3A_67] {strides = array<i32>} : memref<128xi32, #tpu.memory_space<vmem>>, vector<16xi32>,
      %gather3A_69 = tpu.vector_load_idx %arg13[%add3A_66, %get3A_68] : memref<128x16xf32, #tpu.memory_space<vmem>>[vector<16xi32>, vector<16xi32>], vector<16xf32>,
      %swap3A_70 = arith.constant 80 : index
      %swap3A_71 = tpu.vector_load %arg14[%swap3A_70] {strides = array<i32>} : memref<128xf32, #tpu.memory_space<vmem>>, vector<16xf32>,
      tpu.vector_store %arg14[%swap3A_70], %gather3A_69 {strides = array<i32>} : memref<128xf32, #tpu.memory_space<vmem>>, vector<16xf32>,
      %iota3A_72 = tpu.iota {dimensions = array<i32: 0>} : vector<16xi32>
      %add3A_73 = arith.constant 96 : i32
      %add3A_74 = vector.broadcast %add3A_73 : i32 to vector<16xi32>
      %add3A_75 = arith.addi %iota3A_72, %add3A_74 : vector<16xi32>
      %get3A_76 = arith.constant 96 : index
      %get3A_77 = tpu.vector_load %arg11[%get3A_76] {strides = array<i32>} : memref<128xi32, #tpu.memory_space<vmem>>, vector<16xi32>,
      %gather3A_78 = tpu.vector_load_idx %arg13[%add3A_75, %get3A_77] : memref<128x16xf32, #tpu.memory_space<vmem>>[vector<16xi32>, vector<16xi32>], vector<16xf32>,
      %swap3A_79 = arith.constant 96 : index
      %swap3A_80 = tpu.vector_load %arg14[%swap3A_79] {strides = array<i32>} : memref<128xf32, #tpu.memory_space<vmem>>, vector<16xf32>,
      tpu.vector_store %arg14[%swap3A_79], %gather3A_78 {strides = array<i32>} : memref<128xf32, #tpu.memory_space<vmem>>, vector<16xf32>,
      %iota3A_81 = tpu.iota {dimensions = array<i32: 0>} : vector<16xi32>
      %add3A_82 = arith.constant 112 : i32
      %add3A_83 = vector.broadcast %add3A_82 : i32 to vector<16xi32>
      %add3A_84 = arith.addi %iota3A_81, %add3A_83 : vector<16xi32>
      %get3A_85 = arith.constant 112 : index
      %get3A_86 = tpu.vector_load %arg11[%get3A_85] {strides = array<i32>} : memref<128xi32, #tpu.memory_space<vmem>>, vector<16xi32>,
      %gather3A_87 = tpu.vector_load_idx %arg13[%add3A_84, %get3A_86] : memref<128x16xf32, #tpu.memory_space<vmem>>[vector<16xi32>, vector<16xi32>], vector<16xf32>,
      %swap3A_88 = arith.constant 112 : index
      %swap3A_89 = tpu.vector_load %arg14[%swap3A_88] {strides = array<i32>} : memref<128xf32, #tpu.memory_space<vmem>>, vector<16xf32>,
      tpu.vector_store %arg14[%swap3A_88], %gather3A_87 {strides = array<i32>} : memref<128xf32, #tpu.memory_space<vmem>>, vector<16xf32>,
      "tpu.region"() ({
        %run_scoped3A = tpu.sem_alloc : memref<!tpu.dma_semaphore, #tpu.memory_space<semaphore_mem>>
        %dma_start3A_90 = arith.constant 0 : i32
        %dma_start3A_91 = tpu.memref_slice %arg7[%add3A_11, %dma_start3A_90] : memref<106496x64xf32, #tpu.memory_space<hbm>> -> memref<128x64xf32, #tpu.memory_space<hbm>>
        %dma_start3A_92 = arith.constant 0 : i32
        %dma_start3A_93 = tpu.memref_slice %arg7[%add3A_11, %dma_start3A_92] : memref<106496x64xf32, #tpu.memory_space<hbm>> -> memref<128x64xf32, #tpu.memory_space<hbm>>
        tpu.enqueue_dma source(%arg12 : memref<128x64xf32, #tpu.memory_space<vmem>>) target(%dma_start3A_93 : memref<128x64xf32, #tpu.memory_space<hbm>>) target_semaphore(%run_scoped3A : memref<!tpu.dma_semaphore, #tpu.memory_space<semaphore_mem>>)
        %dma_wait3A_94 = arith.constant 0 : i32
        %dma_wait3A_95 = tpu.memref_slice %arg7[%add3A_11, %dma_wait3A_94] : memref<106496x64xf32, #tpu.memory_space<hbm>> -> memref<128x64xf32, #tpu.memory_space<hbm>>
        %dma_wait3A_96 = arith.constant 0 : i32
        %dma_wait3A_97 = tpu.memref_slice %arg7[%add3A_11, %dma_wait3A_96] : memref<106496x64xf32, #tpu.memory_space<hbm>> -> memref<128x64xf32, #tpu.memory_space<hbm>>
        tpu.wait_dma2 semaphore(%run_scoped3A : memref<!tpu.dma_semaphore, #tpu.memory_space<semaphore_mem>>) src(%arg12 : memref<128x64xf32, #tpu.memory_space<vmem>>) dst(%dma_wait3A_97 : memref<128x64xf32, #tpu.memory_space<hbm>>)
        tpu.yield
      }) : () -> ()
      "tpu.region"() ({
        %run_scoped3A = tpu.sem_alloc : memref<!tpu.dma_semaphore, #tpu.memory_space<semaphore_mem>>
        %dma_start3A_90 = tpu.memref_slice %arg8[%add3A_11] : memref<106496xf32, #tpu.memory_space<hbm>> -> memref<128xf32, #tpu.memory_space<hbm>>
        %dma_start3A_91 = tpu.memref_slice %arg8[%add3A_11] : memref<106496xf32, #tpu.memory_space<hbm>> -> memref<128xf32, #tpu.memory_space<hbm>>
        tpu.enqueue_dma source(%arg14 : memref<128xf32, #tpu.memory_space<vmem>>) target(%dma_start3A_91 : memref<128xf32, #tpu.memory_space<hbm>>) target_semaphore(%run_scoped3A : memref<!tpu.dma_semaphore, #tpu.memory_space<semaphore_mem>>)
        %dma_wait3A_92 = tpu.memref_slice %arg8[%add3A_11] : memref<106496xf32, #tpu.memory_space<hbm>> -> memref<128xf32, #tpu.memory_space<hbm>>
        %dma_wait3A_93 = tpu.memref_slice %arg8[%add3A_11] : memref<106496xf32, #tpu.memory_space<hbm>> -> memref<128xf32, #tpu.memory_space<hbm>>
        tpu.wait_dma2 semaphore(%run_scoped3A : memref<!tpu.dma_semaphore, #tpu.memory_space<semaphore_mem>>) src(%arg14 : memref<128xf32, #tpu.memory_space<vmem>>) dst(%dma_wait3A_93 : memref<128xf32, #tpu.memory_space<hbm>>)
        tpu.yield
      }) : () -> ()
    }
    %scan3A_7 = arith.constant 26 : i32
    return
  }
}

module attributes {stable_mosaic.version = 14 : i64} {
  func.func @_tc_body(%arg0: i32, %arg1: memref<26x256x64xf32, #tpu.memory_space<vmem>>, %arg2: memref<26x32x128xf32, #tpu.memory_space<vmem>>, %arg3: memref<13x256xf32, #tpu.memory_space<vmem>>, %arg4: memref<13x1xf32, #tpu.memory_space<vmem>>, %arg5: memref<1xf32, #tpu.memory_space<smem>>, %arg6: memref<64x64xf32, #tpu.memory_space<vmem>>, %arg7: memref<1x64xf32, #tpu.memory_space<vmem>>, %arg8: memref<1x64xf32, #tpu.memory_space<vmem>>, %arg9: memref<1xf32, #tpu.memory_space<smem>>, %arg10: memref<1xf32, #tpu.memory_space<smem>>, %arg11: memref<1xf32, #tpu.memory_space<smem>>, %arg12: memref<1xf32, #tpu.memory_space<smem>>, %arg13: memref<256xf32, #tpu.memory_space<vmem>>, %arg14: memref<256xf32, #tpu.memory_space<vmem>>) attributes {dimension_semantics = [#tpu.dimension_semantics<arbitrary>], iteration_bounds = array<i64: 16>, scalar_prefetch = 0 : i64, scratch_operands = 0 : i64, tpu.core_type = #tpu.core_type<tc>, window_params = [{transform_indices = @transform_0, window_bounds = array<i64: 26, 256, 64>}, {pipeline_mode = #tpu.pipeline_mode<synchronous>, transform_indices = @transform_1, window_bounds = array<i64: 26, 32, 128>}, {transform_indices = @transform_2, window_bounds = array<i64: 13, 256>}, {pipeline_mode = #tpu.pipeline_mode<synchronous>, transform_indices = @transform_3, window_bounds = array<i64: 13, 1>}, {transform_indices = @transform_4, window_bounds = array<i64: 1>}, {pipeline_mode = #tpu.pipeline_mode<synchronous>, transform_indices = @transform_5, window_bounds = array<i64: 64, 64>}, {pipeline_mode = #tpu.pipeline_mode<synchronous>, transform_indices = @transform_6, window_bounds = array<i64: 1, 64>}, {pipeline_mode = #tpu.pipeline_mode<synchronous>, transform_indices = @transform_7, window_bounds = array<i64: 1, 64>}, {transform_indices = @transform_8, window_bounds = array<i64: 1>}, {transform_indices = @transform_9, window_bounds = array<i64: 1>}, {transform_indices = @transform_10, window_bounds = array<i64: 1>}, {transform_indices = @transform_11, window_bounds = array<i64: 1>}, {transform_indices = @transform_12, window_bounds = array<i64: 256>}, {transform_indices = @transform_13, window_bounds = array<i64: 256>}]} {
    %get3A = arith.constant 0 : index
    %get3A_0 = arith.constant 0 : index
    %get3A_1 = arith.constant 0 : index
    %get3A_2 = vector.load %arg1[%get3A, %get3A_0, %get3A_1] : memref<26x256x64xf32, #tpu.memory_space<vmem>>, vector<26x256x64xf32>
    %get3A_3 = arith.constant 0 : index
    %get3A_4 = arith.constant 0 : index
    %get3A_5 = vector.load %arg6[%get3A_3, %get3A_4] : memref<64x64xf32, #tpu.memory_space<vmem>>, vector<64x64xf32>
    %get3A_6 = arith.constant 0 : index
    %get3A_7 = arith.constant 0 : index
    %get3A_8 = vector.load %arg7[%get3A_6, %get3A_7] : memref<1x64xf32, #tpu.memory_space<vmem>>, vector<1x64xf32>
    %get3A_9 = arith.constant 0 : index
    %get3A_10 = arith.constant 0 : index
    %get3A_11 = vector.load %arg8[%get3A_9, %get3A_10] : memref<1x64xf32, #tpu.memory_space<vmem>>, vector<1x64xf32>
    %broadcast_in_dim3A = arith.constant 0xFF800000 : f32
    %broadcast_in_dim3A_12 = vector.broadcast %broadcast_in_dim3A : f32 to vector<256xf32>
    %broadcast_in_dim3A_13 = arith.constant 0.000000e+00 : f32
    %broadcast_in_dim3A_14 = vector.broadcast %broadcast_in_dim3A_13 : f32 to vector<256xf32>
    %broadcast_in_dim3A_15 = arith.constant 0.000000e+00 : f32
    %broadcast_in_dim3A_16 = vector.broadcast %broadcast_in_dim3A_15 : f32 to vector<256xf32>
    %slice3A = vector.extract_strided_slice %get3A_2 {offsets = [0, 0, 0], sizes = [25, 256, 64], strides = [1, 1, 1]} : vector<26x256x64xf32> to vector<25x256x64xf32>
    %slice3A_17 = vector.extract_strided_slice %get3A_2 {offsets = [1, 0, 0], sizes = [25, 256, 64], strides = [1, 1, 1]} : vector<26x256x64xf32> to vector<25x256x64xf32>
    %mul3A = arith.mulf %slice3A, %slice3A_17 : vector<25x256x64xf32>
    %reshape3A = vector.shape_cast %mul3A : vector<25x256x64xf32> to vector<6400x64xf32>
    %dot_general3A = arith.constant dense<0.000000e+00> : vector<6400x64xf32>
    %dot_general3A_18 = tpu.matmul %reshape3A, %get3A_5, %dot_general3A {dimension_numbers = #tpu.dot_dimension_numbers<[1], [0], [0], [1], [0, 0, 1, 1], [], []>, transpose_lhs_hint = false} : vector<6400x64xf32>, vector<64x64xf32>, vector<6400x64xf32> -> vector<6400x64xf32>
    %add3A = vector.broadcast %get3A_8 : vector<1x64xf32> to vector<6400x64xf32>
    %add3A_19 = arith.addf %dot_general3A_18, %add3A : vector<6400x64xf32>
    %max3A = arith.constant 0.000000e+00 : f32
    %max3A_20 = vector.broadcast %max3A : f32 to vector<6400x64xf32>
    %max3A_21 = arith.maximumf %add3A_19, %max3A_20 : vector<6400x64xf32>
    %mul3A_22 = vector.broadcast %get3A_11 : vector<1x64xf32> to vector<6400x64xf32>
    %mul3A_23 = arith.mulf %max3A_21, %mul3A_22 : vector<6400x64xf32>
    %reshape3A_24 = vector.shape_cast %mul3A_23 : vector<6400x64xf32> to vector<25x256x64xf32>
    %reshape3A_25 = vector.shape_cast %reshape3A : vector<6400x64xf32> to vector<25x256x64xf32>
    %reduce_sum3A = arith.constant dense<0.000000e+00> : vector<25x256xf32>
    %reduce_sum3A_26 = vector.multi_reduction <add>, %reshape3A_24, %reduce_sum3A [2] : vector<25x256x64xf32> to vector<25x256xf32>
    %reduce_sum3A_27 = arith.constant dense<0.000000e+00> : vector<25x256xf32>
    %reduce_sum3A_28 = vector.multi_reduction <add>, %reshape3A_25, %reduce_sum3A_27 [2] : vector<25x256x64xf32> to vector<25x256xf32>
    %reduce_max3A = arith.constant dense<0xFF800000> : vector<256xf32>
    %reduce_max3A_29 = vector.multi_reduction <maximumf>, %reduce_sum3A_26, %reduce_max3A [0] : vector<25x256xf32> to vector<256xf32>
    %max3A_30 = arith.maximumf %broadcast_in_dim3A_12, %reduce_max3A_29 : vector<256xf32>
    %sub3A = arith.subf %broadcast_in_dim3A_12, %max3A_30 : vector<256xf32>
    %exp3A = math.exp %sub3A : vector<256xf32>
    %broadcast_in_dim3A_31 = vector.shape_cast %max3A_30 : vector<256xf32> to vector<1x256xf32>
    %sub3A_32 = vector.broadcast %broadcast_in_dim3A_31 : vector<1x256xf32> to vector<25x256xf32>
    %sub3A_33 = arith.subf %reduce_sum3A_26, %sub3A_32 : vector<25x256xf32>
    %exp3A_34 = math.exp %sub3A_33 : vector<25x256xf32>
    %mul3A_35 = arith.mulf %broadcast_in_dim3A_14, %exp3A : vector<256xf32>
    %reduce_sum3A_36 = arith.constant dense<0.000000e+00> : vector<256xf32>
    %reduce_sum3A_37 = vector.multi_reduction <add>, %exp3A_34, %reduce_sum3A_36 [0] : vector<25x256xf32> to vector<256xf32>
    %add3A_38 = arith.addf %mul3A_35, %reduce_sum3A_37 : vector<256xf32>
    %mul3A_39 = arith.mulf %broadcast_in_dim3A_16, %exp3A : vector<256xf32>
    %mul3A_40 = arith.mulf %exp3A_34, %reduce_sum3A_28 : vector<25x256xf32>
    %reduce_sum3A_41 = arith.constant dense<0.000000e+00> : vector<256xf32>
    %reduce_sum3A_42 = vector.multi_reduction <add>, %mul3A_40, %reduce_sum3A_41 [0] : vector<25x256xf32> to vector<256xf32>
    %add3A_43 = arith.addf %mul3A_39, %reduce_sum3A_42 : vector<256xf32>
    %slice3A_44 = vector.extract_strided_slice %get3A_2 {offsets = [0, 0, 0], sizes = [24, 256, 64], strides = [1, 1, 1]} : vector<26x256x64xf32> to vector<24x256x64xf32>
    %slice3A_45 = vector.extract_strided_slice %get3A_2 {offsets = [2, 0, 0], sizes = [24, 256, 64], strides = [1, 1, 1]} : vector<26x256x64xf32> to vector<24x256x64xf32>
    %mul3A_46 = arith.mulf %slice3A_44, %slice3A_45 : vector<24x256x64xf32>
    %reshape3A_47 = vector.shape_cast %mul3A_46 : vector<24x256x64xf32> to vector<6144x64xf32>
    %slice3A_48 = vector.extract_strided_slice %get3A_2 {offsets = [0, 0, 0], sizes = [1, 256, 64], strides = [1, 1, 1]} : vector<26x256x64xf32> to vector<1x256x64xf32>
    %slice3A_49 = vector.extract_strided_slice %get3A_2 {offsets = [25, 0, 0], sizes = [1, 256, 64], strides = [1, 1, 1]} : vector<26x256x64xf32> to vector<1x256x64xf32>
    %mul3A_50 = arith.mulf %slice3A_48, %slice3A_49 : vector<1x256x64xf32>
    %reshape3A_51 = vector.shape_cast %mul3A_50 : vector<1x256x64xf32> to vector<256x64xf32>
    %concatenate3A = tpu.concatenate %reshape3A_47, %reshape3A_51 in 0 : vector<6144x64xf32>, vector<256x64xf32> -> vector<6400x64xf32>
    %dot_general3A_52 = arith.constant dense<0.000000e+00> : vector<6400x64xf32>
    %dot_general3A_53 = tpu.matmul %concatenate3A, %get3A_5, %dot_general3A_52 {dimension_numbers = #tpu.dot_dimension_numbers<[1], [0], [0], [1], [0, 0, 1, 1], [], []>, transpose_lhs_hint = false} : vector<6400x64xf32>, vector<64x64xf32>, vector<6400x64xf32> -> vector<6400x64xf32>
    %add3A_54 = vector.broadcast %get3A_8 : vector<1x64xf32> to vector<6400x64xf32>
    %add3A_55 = arith.addf %dot_general3A_53, %add3A_54 : vector<6400x64xf32>
    %max3A_56 = arith.constant 0.000000e+00 : f32
    %max3A_57 = vector.broadcast %max3A_56 : f32 to vector<6400x64xf32>
    %max3A_58 = arith.maximumf %add3A_55, %max3A_57 : vector<6400x64xf32>
    %mul3A_59 = vector.broadcast %get3A_11 : vector<1x64xf32> to vector<6400x64xf32>
    %mul3A_60 = arith.mulf %max3A_58, %mul3A_59 : vector<6400x64xf32>
    %reshape3A_61 = vector.shape_cast %mul3A_60 : vector<6400x64xf32> to vector<25x256x64xf32>
    %reshape3A_62 = vector.shape_cast %concatenate3A : vector<6400x64xf32> to vector<25x256x64xf32>
    %reduce_sum3A_63 = arith.constant dense<0.000000e+00> : vector<25x256xf32>
    %reduce_sum3A_64 = vector.multi_reduction <add>, %reshape3A_61, %reduce_sum3A_63 [2] : vector<25x256x64xf32> to vector<25x256xf32>
    %reduce_sum3A_65 = arith.constant dense<0.000000e+00> : vector<25x256xf32>
    %reduce_sum3A_66 = vector.multi_reduction <add>, %reshape3A_62, %reduce_sum3A_65 [2] : vector<25x256x64xf32> to vector<25x256xf32>
    %reduce_max3A_67 = arith.constant dense<0xFF800000> : vector<256xf32>
    %reduce_max3A_68 = vector.multi_reduction <maximumf>, %reduce_sum3A_64, %reduce_max3A_67 [0] : vector<25x256xf32> to vector<256xf32>
    %max3A_69 = arith.maximumf %max3A_30, %reduce_max3A_68 : vector<256xf32>
    %sub3A_70 = arith.subf %max3A_30, %max3A_69 : vector<256xf32>
    %exp3A_71 = math.exp %sub3A_70 : vector<256xf32>
    %broadcast_in_dim3A_72 = vector.shape_cast %max3A_69 : vector<256xf32> to vector<1x256xf32>
    %sub3A_73 = vector.broadcast %broadcast_in_dim3A_72 : vector<1x256xf32> to vector<25x256xf32>
    %sub3A_74 = arith.subf %reduce_sum3A_64, %sub3A_73 : vector<25x256xf32>
    %exp3A_75 = math.exp %sub3A_74 : vector<25x256xf32>
    %mul3A_76 = arith.mulf %add3A_38, %exp3A_71 : vector<256xf32>
    %reduce_sum3A_77 = arith.constant dense<0.000000e+00> : vector<256xf32>
    %reduce_sum3A_78 = vector.multi_reduction <add>, %exp3A_75, %reduce_sum3A_77 [0] : vector<25x256xf32> to vector<256xf32>
    %add3A_79 = arith.addf %mul3A_76, %reduce_sum3A_78 : vector<256xf32>
    %mul3A_80 = arith.mulf %add3A_43, %exp3A_71 : vector<256xf32>
    %mul3A_81 = arith.mulf %exp3A_75, %reduce_sum3A_66 : vector<25x256xf32>
    %reduce_sum3A_82 = arith.constant dense<0.000000e+00> : vector<256xf32>
    %reduce_sum3A_83 = vector.multi_reduction <add>, %mul3A_81, %reduce_sum3A_82 [0] : vector<25x256xf32> to vector<256xf32>
    %add3A_84 = arith.addf %mul3A_80, %reduce_sum3A_83 : vector<256xf32>
    %slice3A_85 = vector.extract_strided_slice %get3A_2 {offsets = [0, 0, 0], sizes = [23, 256, 64], strides = [1, 1, 1]} : vector<26x256x64xf32> to vector<23x256x64xf32>
    %slice3A_86 = vector.extract_strided_slice %get3A_2 {offsets = [3, 0, 0], sizes = [23, 256, 64], strides = [1, 1, 1]} : vector<26x256x64xf32> to vector<23x256x64xf32>
    %mul3A_87 = arith.mulf %slice3A_85, %slice3A_86 : vector<23x256x64xf32>
    %reshape3A_88 = vector.shape_cast %mul3A_87 : vector<23x256x64xf32> to vector<5888x64xf32>
    %slice3A_89 = vector.extract_strided_slice %get3A_2 {offsets = [0, 0, 0], sizes = [2, 256, 64], strides = [1, 1, 1]} : vector<26x256x64xf32> to vector<2x256x64xf32>
    %slice3A_90 = vector.extract_strided_slice %get3A_2 {offsets = [24, 0, 0], sizes = [2, 256, 64], strides = [1, 1, 1]} : vector<26x256x64xf32> to vector<2x256x64xf32>
    %mul3A_91 = arith.mulf %slice3A_89, %slice3A_90 : vector<2x256x64xf32>
    %reshape3A_92 = vector.shape_cast %mul3A_91 : vector<2x256x64xf32> to vector<512x64xf32>
    %concatenate3A_93 = tpu.concatenate %reshape3A_88, %reshape3A_92 in 0 : vector<5888x64xf32>, vector<512x64xf32> -> vector<6400x64xf32>
    %dot_general3A_94 = arith.constant dense<0.000000e+00> : vector<6400x64xf32>
    %dot_general3A_95 = tpu.matmul %concatenate3A_93, %get3A_5, %dot_general3A_94 {dimension_numbers = #tpu.dot_dimension_numbers<[1], [0], [0], [1], [0, 0, 1, 1], [], []>, transpose_lhs_hint = false} : vector<6400x64xf32>, vector<64x64xf32>, vector<6400x64xf32> -> vector<6400x64xf32>
    %add3A_96 = vector.broadcast %get3A_8 : vector<1x64xf32> to vector<6400x64xf32>
    %add3A_97 = arith.addf %dot_general3A_95, %add3A_96 : vector<6400x64xf32>
    %max3A_98 = arith.constant 0.000000e+00 : f32
    %max3A_99 = vector.broadcast %max3A_98 : f32 to vector<6400x64xf32>
    %max3A_100 = arith.maximumf %add3A_97, %max3A_99 : vector<6400x64xf32>
    %mul3A_101 = vector.broadcast %get3A_11 : vector<1x64xf32> to vector<6400x64xf32>
    %mul3A_102 = arith.mulf %max3A_100, %mul3A_101 : vector<6400x64xf32>
    %reshape3A_103 = vector.shape_cast %mul3A_102 : vector<6400x64xf32> to vector<25x256x64xf32>
    %reshape3A_104 = vector.shape_cast %concatenate3A_93 : vector<6400x64xf32> to vector<25x256x64xf32>
    %reduce_sum3A_105 = arith.constant dense<0.000000e+00> : vector<25x256xf32>
    %reduce_sum3A_106 = vector.multi_reduction <add>, %reshape3A_103, %reduce_sum3A_105 [2] : vector<25x256x64xf32> to vector<25x256xf32>
    %reduce_sum3A_107 = arith.constant dense<0.000000e+00> : vector<25x256xf32>
    %reduce_sum3A_108 = vector.multi_reduction <add>, %reshape3A_104, %reduce_sum3A_107 [2] : vector<25x256x64xf32> to vector<25x256xf32>
    %reduce_max3A_109 = arith.constant dense<0xFF800000> : vector<256xf32>
    %reduce_max3A_110 = vector.multi_reduction <maximumf>, %reduce_sum3A_106, %reduce_max3A_109 [0] : vector<25x256xf32> to vector<256xf32>
    %max3A_111 = arith.maximumf %max3A_69, %reduce_max3A_110 : vector<256xf32>
    %sub3A_112 = arith.subf %max3A_69, %max3A_111 : vector<256xf32>
    %exp3A_113 = math.exp %sub3A_112 : vector<256xf32>
    %broadcast_in_dim3A_114 = vector.shape_cast %max3A_111 : vector<256xf32> to vector<1x256xf32>
    %sub3A_115 = vector.broadcast %broadcast_in_dim3A_114 : vector<1x256xf32> to vector<25x256xf32>
    %sub3A_116 = arith.subf %reduce_sum3A_106, %sub3A_115 : vector<25x256xf32>
    %exp3A_117 = math.exp %sub3A_116 : vector<25x256xf32>
    %mul3A_118 = arith.mulf %add3A_79, %exp3A_113 : vector<256xf32>
    %reduce_sum3A_119 = arith.constant dense<0.000000e+00> : vector<256xf32>
    %reduce_sum3A_120 = vector.multi_reduction <add>, %exp3A_117, %reduce_sum3A_119 [0] : vector<25x256xf32> to vector<256xf32>
    %add3A_121 = arith.addf %mul3A_118, %reduce_sum3A_120 : vector<256xf32>
    %mul3A_122 = arith.mulf %add3A_84, %exp3A_113 : vector<256xf32>
    %mul3A_123 = arith.mulf %exp3A_117, %reduce_sum3A_108 : vector<25x256xf32>
    %reduce_sum3A_124 = arith.constant dense<0.000000e+00> : vector<256xf32>
    %reduce_sum3A_125 = vector.multi_reduction <add>, %mul3A_123, %reduce_sum3A_124 [0] : vector<25x256xf32> to vector<256xf32>
    %add3A_126 = arith.addf %mul3A_122, %reduce_sum3A_125 : vector<256xf32>
    %slice3A_127 = vector.extract_strided_slice %get3A_2 {offsets = [0, 0, 0], sizes = [22, 256, 64], strides = [1, 1, 1]} : vector<26x256x64xf32> to vector<22x256x64xf32>
    %slice3A_128 = vector.extract_strided_slice %get3A_2 {offsets = [4, 0, 0], sizes = [22, 256, 64], strides = [1, 1, 1]} : vector<26x256x64xf32> to vector<22x256x64xf32>
    %mul3A_129 = arith.mulf %slice3A_127, %slice3A_128 : vector<22x256x64xf32>
    %reshape3A_130 = vector.shape_cast %mul3A_129 : vector<22x256x64xf32> to vector<5632x64xf32>
    %slice3A_131 = vector.extract_strided_slice %get3A_2 {offsets = [0, 0, 0], sizes = [3, 256, 64], strides = [1, 1, 1]} : vector<26x256x64xf32> to vector<3x256x64xf32>
    %slice3A_132 = vector.extract_strided_slice %get3A_2 {offsets = [23, 0, 0], sizes = [3, 256, 64], strides = [1, 1, 1]} : vector<26x256x64xf32> to vector<3x256x64xf32>
    %mul3A_133 = arith.mulf %slice3A_131, %slice3A_132 : vector<3x256x64xf32>
    %reshape3A_134 = vector.shape_cast %mul3A_133 : vector<3x256x64xf32> to vector<768x64xf32>
    %concatenate3A_135 = tpu.concatenate %reshape3A_130, %reshape3A_134 in 0 : vector<5632x64xf32>, vector<768x64xf32> -> vector<6400x64xf32>
    %dot_general3A_136 = arith.constant dense<0.000000e+00> : vector<6400x64xf32>
    %dot_general3A_137 = tpu.matmul %concatenate3A_135, %get3A_5, %dot_general3A_136 {dimension_numbers = #tpu.dot_dimension_numbers<[1], [0], [0], [1], [0, 0, 1, 1], [], []>, transpose_lhs_hint = false} : vector<6400x64xf32>, vector<64x64xf32>, vector<6400x64xf32> -> vector<6400x64xf32>
    %add3A_138 = vector.broadcast %get3A_8 : vector<1x64xf32> to vector<6400x64xf32>
    %add3A_139 = arith.addf %dot_general3A_137, %add3A_138 : vector<6400x64xf32>
    %max3A_140 = arith.constant 0.000000e+00 : f32
    %max3A_141 = vector.broadcast %max3A_140 : f32 to vector<6400x64xf32>
    %max3A_142 = arith.maximumf %add3A_139, %max3A_141 : vector<6400x64xf32>
    %mul3A_143 = vector.broadcast %get3A_11 : vector<1x64xf32> to vector<6400x64xf32>
    %mul3A_144 = arith.mulf %max3A_142, %mul3A_143 : vector<6400x64xf32>
    %reshape3A_145 = vector.shape_cast %mul3A_144 : vector<6400x64xf32> to vector<25x256x64xf32>
    %reshape3A_146 = vector.shape_cast %concatenate3A_135 : vector<6400x64xf32> to vector<25x256x64xf32>
    %reduce_sum3A_147 = arith.constant dense<0.000000e+00> : vector<25x256xf32>
    %reduce_sum3A_148 = vector.multi_reduction <add>, %reshape3A_145, %reduce_sum3A_147 [2] : vector<25x256x64xf32> to vector<25x256xf32>
    %reduce_sum3A_149 = arith.constant dense<0.000000e+00> : vector<25x256xf32>
    %reduce_sum3A_150 = vector.multi_reduction <add>, %reshape3A_146, %reduce_sum3A_149 [2] : vector<25x256x64xf32> to vector<25x256xf32>
    %reduce_max3A_151 = arith.constant dense<0xFF800000> : vector<256xf32>
    %reduce_max3A_152 = vector.multi_reduction <maximumf>, %reduce_sum3A_148, %reduce_max3A_151 [0] : vector<25x256xf32> to vector<256xf32>
    %max3A_153 = arith.maximumf %max3A_111, %reduce_max3A_152 : vector<256xf32>
    %sub3A_154 = arith.subf %max3A_111, %max3A_153 : vector<256xf32>
    %exp3A_155 = math.exp %sub3A_154 : vector<256xf32>
    %broadcast_in_dim3A_156 = vector.shape_cast %max3A_153 : vector<256xf32> to vector<1x256xf32>
    %sub3A_157 = vector.broadcast %broadcast_in_dim3A_156 : vector<1x256xf32> to vector<25x256xf32>
    %sub3A_158 = arith.subf %reduce_sum3A_148, %sub3A_157 : vector<25x256xf32>
    %exp3A_159 = math.exp %sub3A_158 : vector<25x256xf32>
    %mul3A_160 = arith.mulf %add3A_121, %exp3A_155 : vector<256xf32>
    %reduce_sum3A_161 = arith.constant dense<0.000000e+00> : vector<256xf32>
    %reduce_sum3A_162 = vector.multi_reduction <add>, %exp3A_159, %reduce_sum3A_161 [0] : vector<25x256xf32> to vector<256xf32>
    %add3A_163 = arith.addf %mul3A_160, %reduce_sum3A_162 : vector<256xf32>
    %mul3A_164 = arith.mulf %add3A_126, %exp3A_155 : vector<256xf32>
    %mul3A_165 = arith.mulf %exp3A_159, %reduce_sum3A_150 : vector<25x256xf32>
    %reduce_sum3A_166 = arith.constant dense<0.000000e+00> : vector<256xf32>
    %reduce_sum3A_167 = vector.multi_reduction <add>, %mul3A_165, %reduce_sum3A_166 [0] : vector<25x256xf32> to vector<256xf32>
    %add3A_168 = arith.addf %mul3A_164, %reduce_sum3A_167 : vector<256xf32>
    %slice3A_169 = vector.extract_strided_slice %get3A_2 {offsets = [0, 0, 0], sizes = [21, 256, 64], strides = [1, 1, 1]} : vector<26x256x64xf32> to vector<21x256x64xf32>
    %slice3A_170 = vector.extract_strided_slice %get3A_2 {offsets = [5, 0, 0], sizes = [21, 256, 64], strides = [1, 1, 1]} : vector<26x256x64xf32> to vector<21x256x64xf32>
    %mul3A_171 = arith.mulf %slice3A_169, %slice3A_170 : vector<21x256x64xf32>
    %reshape3A_172 = vector.shape_cast %mul3A_171 : vector<21x256x64xf32> to vector<5376x64xf32>
    %slice3A_173 = vector.extract_strided_slice %get3A_2 {offsets = [0, 0, 0], sizes = [4, 256, 64], strides = [1, 1, 1]} : vector<26x256x64xf32> to vector<4x256x64xf32>
    %slice3A_174 = vector.extract_strided_slice %get3A_2 {offsets = [22, 0, 0], sizes = [4, 256, 64], strides = [1, 1, 1]} : vector<26x256x64xf32> to vector<4x256x64xf32>
    %mul3A_175 = arith.mulf %slice3A_173, %slice3A_174 : vector<4x256x64xf32>
    %reshape3A_176 = vector.shape_cast %mul3A_175 : vector<4x256x64xf32> to vector<1024x64xf32>
    %concatenate3A_177 = tpu.concatenate %reshape3A_172, %reshape3A_176 in 0 : vector<5376x64xf32>, vector<1024x64xf32> -> vector<6400x64xf32>
    %dot_general3A_178 = arith.constant dense<0.000000e+00> : vector<6400x64xf32>
    %dot_general3A_179 = tpu.matmul %concatenate3A_177, %get3A_5, %dot_general3A_178 {dimension_numbers = #tpu.dot_dimension_numbers<[1], [0], [0], [1], [0, 0, 1, 1], [], []>, transpose_lhs_hint = false} : vector<6400x64xf32>, vector<64x64xf32>, vector<6400x64xf32> -> vector<6400x64xf32>
    %add3A_180 = vector.broadcast %get3A_8 : vector<1x64xf32> to vector<6400x64xf32>
    %add3A_181 = arith.addf %dot_general3A_179, %add3A_180 : vector<6400x64xf32>
    %max3A_182 = arith.constant 0.000000e+00 : f32
    %max3A_183 = vector.broadcast %max3A_182 : f32 to vector<6400x64xf32>
    %max3A_184 = arith.maximumf %add3A_181, %max3A_183 : vector<6400x64xf32>
    %mul3A_185 = vector.broadcast %get3A_11 : vector<1x64xf32> to vector<6400x64xf32>
    %mul3A_186 = arith.mulf %max3A_184, %mul3A_185 : vector<6400x64xf32>
    %reshape3A_187 = vector.shape_cast %mul3A_186 : vector<6400x64xf32> to vector<25x256x64xf32>
    %reshape3A_188 = vector.shape_cast %concatenate3A_177 : vector<6400x64xf32> to vector<25x256x64xf32>
    %reduce_sum3A_189 = arith.constant dense<0.000000e+00> : vector<25x256xf32>
    %reduce_sum3A_190 = vector.multi_reduction <add>, %reshape3A_187, %reduce_sum3A_189 [2] : vector<25x256x64xf32> to vector<25x256xf32>
    %reduce_sum3A_191 = arith.constant dense<0.000000e+00> : vector<25x256xf32>
    %reduce_sum3A_192 = vector.multi_reduction <add>, %reshape3A_188, %reduce_sum3A_191 [2] : vector<25x256x64xf32> to vector<25x256xf32>
    %reduce_max3A_193 = arith.constant dense<0xFF800000> : vector<256xf32>
    %reduce_max3A_194 = vector.multi_reduction <maximumf>, %reduce_sum3A_190, %reduce_max3A_193 [0] : vector<25x256xf32> to vector<256xf32>
    %max3A_195 = arith.maximumf %max3A_153, %reduce_max3A_194 : vector<256xf32>
    %sub3A_196 = arith.subf %max3A_153, %max3A_195 : vector<256xf32>
    %exp3A_197 = math.exp %sub3A_196 : vector<256xf32>
    %broadcast_in_dim3A_198 = vector.shape_cast %max3A_195 : vector<256xf32> to vector<1x256xf32>
    %sub3A_199 = vector.broadcast %broadcast_in_dim3A_198 : vector<1x256xf32> to vector<25x256xf32>
    %sub3A_200 = arith.subf %reduce_sum3A_190, %sub3A_199 : vector<25x256xf32>
    %exp3A_201 = math.exp %sub3A_200 : vector<25x256xf32>
    %mul3A_202 = arith.mulf %add3A_163, %exp3A_197 : vector<256xf32>
    %reduce_sum3A_203 = arith.constant dense<0.000000e+00> : vector<256xf32>
    %reduce_sum3A_204 = vector.multi_reduction <add>, %exp3A_201, %reduce_sum3A_203 [0] : vector<25x256xf32> to vector<256xf32>
    %add3A_205 = arith.addf %mul3A_202, %reduce_sum3A_204 : vector<256xf32>
    %mul3A_206 = arith.mulf %add3A_168, %exp3A_197 : vector<256xf32>
    %mul3A_207 = arith.mulf %exp3A_201, %reduce_sum3A_192 : vector<25x256xf32>
    %reduce_sum3A_208 = arith.constant dense<0.000000e+00> : vector<256xf32>
    %reduce_sum3A_209 = vector.multi_reduction <add>, %mul3A_207, %reduce_sum3A_208 [0] : vector<25x256xf32> to vector<256xf32>
    %add3A_210 = arith.addf %mul3A_206, %reduce_sum3A_209 : vector<256xf32>
    %slice3A_211 = vector.extract_strided_slice %get3A_2 {offsets = [0, 0, 0], sizes = [20, 256, 64], strides = [1, 1, 1]} : vector<26x256x64xf32> to vector<20x256x64xf32>
    %slice3A_212 = vector.extract_strided_slice %get3A_2 {offsets = [6, 0, 0], sizes = [20, 256, 64], strides = [1, 1, 1]} : vector<26x256x64xf32> to vector<20x256x64xf32>
    %mul3A_213 = arith.mulf %slice3A_211, %slice3A_212 : vector<20x256x64xf32>
    %reshape3A_214 = vector.shape_cast %mul3A_213 : vector<20x256x64xf32> to vector<5120x64xf32>
    %slice3A_215 = vector.extract_strided_slice %get3A_2 {offsets = [0, 0, 0], sizes = [5, 256, 64], strides = [1, 1, 1]} : vector<26x256x64xf32> to vector<5x256x64xf32>
    %slice3A_216 = vector.extract_strided_slice %get3A_2 {offsets = [21, 0, 0], sizes = [5, 256, 64], strides = [1, 1, 1]} : vector<26x256x64xf32> to vector<5x256x64xf32>
    %mul3A_217 = arith.mulf %slice3A_215, %slice3A_216 : vector<5x256x64xf32>
    %reshape3A_218 = vector.shape_cast %mul3A_217 : vector<5x256x64xf32> to vector<1280x64xf32>
    %concatenate3A_219 = tpu.concatenate %reshape3A_214, %reshape3A_218 in 0 : vector<5120x64xf32>, vector<1280x64xf32> -> vector<6400x64xf32>
    %dot_general3A_220 = arith.constant dense<0.000000e+00> : vector<6400x64xf32>
    %dot_general3A_221 = tpu.matmul %concatenate3A_219, %get3A_5, %dot_general3A_220 {dimension_numbers = #tpu.dot_dimension_numbers<[1], [0], [0], [1], [0, 0, 1, 1], [], []>, transpose_lhs_hint = false} : vector<6400x64xf32>, vector<64x64xf32>, vector<6400x64xf32> -> vector<6400x64xf32>
    %add3A_222 = vector.broadcast %get3A_8 : vector<1x64xf32> to vector<6400x64xf32>
    %add3A_223 = arith.addf %dot_general3A_221, %add3A_222 : vector<6400x64xf32>
    %max3A_224 = arith.constant 0.000000e+00 : f32
    %max3A_225 = vector.broadcast %max3A_224 : f32 to vector<6400x64xf32>
    %max3A_226 = arith.maximumf %add3A_223, %max3A_225 : vector<6400x64xf32>
    %mul3A_227 = vector.broadcast %get3A_11 : vector<1x64xf32> to vector<6400x64xf32>
    %mul3A_228 = arith.mulf %max3A_226, %mul3A_227 : vector<6400x64xf32>
    %reshape3A_229 = vector.shape_cast %mul3A_228 : vector<6400x64xf32> to vector<25x256x64xf32>
    %reshape3A_230 = vector.shape_cast %concatenate3A_219 : vector<6400x64xf32> to vector<25x256x64xf32>
    %reduce_sum3A_231 = arith.constant dense<0.000000e+00> : vector<25x256xf32>
    %reduce_sum3A_232 = vector.multi_reduction <add>, %reshape3A_229, %reduce_sum3A_231 [2] : vector<25x256x64xf32> to vector<25x256xf32>
    %reduce_sum3A_233 = arith.constant dense<0.000000e+00> : vector<25x256xf32>
    %reduce_sum3A_234 = vector.multi_reduction <add>, %reshape3A_230, %reduce_sum3A_233 [2] : vector<25x256x64xf32> to vector<25x256xf32>
    %reduce_max3A_235 = arith.constant dense<0xFF800000> : vector<256xf32>
    %reduce_max3A_236 = vector.multi_reduction <maximumf>, %reduce_sum3A_232, %reduce_max3A_235 [0] : vector<25x256xf32> to vector<256xf32>
    %max3A_237 = arith.maximumf %max3A_195, %reduce_max3A_236 : vector<256xf32>
    %sub3A_238 = arith.subf %max3A_195, %max3A_237 : vector<256xf32>
    %exp3A_239 = math.exp %sub3A_238 : vector<256xf32>
    %broadcast_in_dim3A_240 = vector.shape_cast %max3A_237 : vector<256xf32> to vector<1x256xf32>
    %sub3A_241 = vector.broadcast %broadcast_in_dim3A_240 : vector<1x256xf32> to vector<25x256xf32>
    %sub3A_242 = arith.subf %reduce_sum3A_232, %sub3A_241 : vector<25x256xf32>
    %exp3A_243 = math.exp %sub3A_242 : vector<25x256xf32>
    %mul3A_244 = arith.mulf %add3A_205, %exp3A_239 : vector<256xf32>
    %reduce_sum3A_245 = arith.constant dense<0.000000e+00> : vector<256xf32>
    %reduce_sum3A_246 = vector.multi_reduction <add>, %exp3A_243, %reduce_sum3A_245 [0] : vector<25x256xf32> to vector<256xf32>
    %add3A_247 = arith.addf %mul3A_244, %reduce_sum3A_246 : vector<256xf32>
    %mul3A_248 = arith.mulf %add3A_210, %exp3A_239 : vector<256xf32>
    %mul3A_249 = arith.mulf %exp3A_243, %reduce_sum3A_234 : vector<25x256xf32>
    %reduce_sum3A_250 = arith.constant dense<0.000000e+00> : vector<256xf32>
    %reduce_sum3A_251 = vector.multi_reduction <add>, %mul3A_249, %reduce_sum3A_250 [0] : vector<25x256xf32> to vector<256xf32>
    %add3A_252 = arith.addf %mul3A_248, %reduce_sum3A_251 : vector<256xf32>
    %slice3A_253 = vector.extract_strided_slice %get3A_2 {offsets = [0, 0, 0], sizes = [19, 256, 64], strides = [1, 1, 1]} : vector<26x256x64xf32> to vector<19x256x64xf32>
    %slice3A_254 = vector.extract_strided_slice %get3A_2 {offsets = [7, 0, 0], sizes = [19, 256, 64], strides = [1, 1, 1]} : vector<26x256x64xf32> to vector<19x256x64xf32>
    %mul3A_255 = arith.mulf %slice3A_253, %slice3A_254 : vector<19x256x64xf32>
    %reshape3A_256 = vector.shape_cast %mul3A_255 : vector<19x256x64xf32> to vector<4864x64xf32>
    %slice3A_257 = vector.extract_strided_slice %get3A_2 {offsets = [0, 0, 0], sizes = [6, 256, 64], strides = [1, 1, 1]} : vector<26x256x64xf32> to vector<6x256x64xf32>
    %slice3A_258 = vector.extract_strided_slice %get3A_2 {offsets = [20, 0, 0], sizes = [6, 256, 64], strides = [1, 1, 1]} : vector<26x256x64xf32> to vector<6x256x64xf32>
    %mul3A_259 = arith.mulf %slice3A_257, %slice3A_258 : vector<6x256x64xf32>
    %reshape3A_260 = vector.shape_cast %mul3A_259 : vector<6x256x64xf32> to vector<1536x64xf32>
    %concatenate3A_261 = tpu.concatenate %reshape3A_256, %reshape3A_260 in 0 : vector<4864x64xf32>, vector<1536x64xf32> -> vector<6400x64xf32>
    %dot_general3A_262 = arith.constant dense<0.000000e+00> : vector<6400x64xf32>
    %dot_general3A_263 = tpu.matmul %concatenate3A_261, %get3A_5, %dot_general3A_262 {dimension_numbers = #tpu.dot_dimension_numbers<[1], [0], [0], [1], [0, 0, 1, 1], [], []>, transpose_lhs_hint = false} : vector<6400x64xf32>, vector<64x64xf32>, vector<6400x64xf32> -> vector<6400x64xf32>
    %add3A_264 = vector.broadcast %get3A_8 : vector<1x64xf32> to vector<6400x64xf32>
    %add3A_265 = arith.addf %dot_general3A_263, %add3A_264 : vector<6400x64xf32>
    %max3A_266 = arith.constant 0.000000e+00 : f32
    %max3A_267 = vector.broadcast %max3A_266 : f32 to vector<6400x64xf32>
    %max3A_268 = arith.maximumf %add3A_265, %max3A_267 : vector<6400x64xf32>
    %mul3A_269 = vector.broadcast %get3A_11 : vector<1x64xf32> to vector<6400x64xf32>
    %mul3A_270 = arith.mulf %max3A_268, %mul3A_269 : vector<6400x64xf32>
    %reshape3A_271 = vector.shape_cast %mul3A_270 : vector<6400x64xf32> to vector<25x256x64xf32>
    %reshape3A_272 = vector.shape_cast %concatenate3A_261 : vector<6400x64xf32> to vector<25x256x64xf32>
    %reduce_sum3A_273 = arith.constant dense<0.000000e+00> : vector<25x256xf32>
    %reduce_sum3A_274 = vector.multi_reduction <add>, %reshape3A_271, %reduce_sum3A_273 [2] : vector<25x256x64xf32> to vector<25x256xf32>
    %reduce_sum3A_275 = arith.constant dense<0.000000e+00> : vector<25x256xf32>
    %reduce_sum3A_276 = vector.multi_reduction <add>, %reshape3A_272, %reduce_sum3A_275 [2] : vector<25x256x64xf32> to vector<25x256xf32>
    %reduce_max3A_277 = arith.constant dense<0xFF800000> : vector<256xf32>
    %reduce_max3A_278 = vector.multi_reduction <maximumf>, %reduce_sum3A_274, %reduce_max3A_277 [0] : vector<25x256xf32> to vector<256xf32>
    %max3A_279 = arith.maximumf %max3A_237, %reduce_max3A_278 : vector<256xf32>
    %sub3A_280 = arith.subf %max3A_237, %max3A_279 : vector<256xf32>
    %exp3A_281 = math.exp %sub3A_280 : vector<256xf32>
    %broadcast_in_dim3A_282 = vector.shape_cast %max3A_279 : vector<256xf32> to vector<1x256xf32>
    %sub3A_283 = vector.broadcast %broadcast_in_dim3A_282 : vector<1x256xf32> to vector<25x256xf32>
    %sub3A_284 = arith.subf %reduce_sum3A_274, %sub3A_283 : vector<25x256xf32>
    %exp3A_285 = math.exp %sub3A_284 : vector<25x256xf32>
    %mul3A_286 = arith.mulf %add3A_247, %exp3A_281 : vector<256xf32>
    %reduce_sum3A_287 = arith.constant dense<0.000000e+00> : vector<256xf32>
    %reduce_sum3A_288 = vector.multi_reduction <add>, %exp3A_285, %reduce_sum3A_287 [0] : vector<25x256xf32> to vector<256xf32>
    %add3A_289 = arith.addf %mul3A_286, %reduce_sum3A_288 : vector<256xf32>
    %mul3A_290 = arith.mulf %add3A_252, %exp3A_281 : vector<256xf32>
    %mul3A_291 = arith.mulf %exp3A_285, %reduce_sum3A_276 : vector<25x256xf32>
    %reduce_sum3A_292 = arith.constant dense<0.000000e+00> : vector<256xf32>
    %reduce_sum3A_293 = vector.multi_reduction <add>, %mul3A_291, %reduce_sum3A_292 [0] : vector<25x256xf32> to vector<256xf32>
    %add3A_294 = arith.addf %mul3A_290, %reduce_sum3A_293 : vector<256xf32>
    %slice3A_295 = vector.extract_strided_slice %get3A_2 {offsets = [0, 0, 0], sizes = [18, 256, 64], strides = [1, 1, 1]} : vector<26x256x64xf32> to vector<18x256x64xf32>
    %slice3A_296 = vector.extract_strided_slice %get3A_2 {offsets = [8, 0, 0], sizes = [18, 256, 64], strides = [1, 1, 1]} : vector<26x256x64xf32> to vector<18x256x64xf32>
    %mul3A_297 = arith.mulf %slice3A_295, %slice3A_296 : vector<18x256x64xf32>
    %reshape3A_298 = vector.shape_cast %mul3A_297 : vector<18x256x64xf32> to vector<4608x64xf32>
    %slice3A_299 = vector.extract_strided_slice %get3A_2 {offsets = [0, 0, 0], sizes = [7, 256, 64], strides = [1, 1, 1]} : vector<26x256x64xf32> to vector<7x256x64xf32>
    %slice3A_300 = vector.extract_strided_slice %get3A_2 {offsets = [19, 0, 0], sizes = [7, 256, 64], strides = [1, 1, 1]} : vector<26x256x64xf32> to vector<7x256x64xf32>
    %mul3A_301 = arith.mulf %slice3A_299, %slice3A_300 : vector<7x256x64xf32>
    %reshape3A_302 = vector.shape_cast %mul3A_301 : vector<7x256x64xf32> to vector<1792x64xf32>
    %concatenate3A_303 = tpu.concatenate %reshape3A_298, %reshape3A_302 in 0 : vector<4608x64xf32>, vector<1792x64xf32> -> vector<6400x64xf32>
    %dot_general3A_304 = arith.constant dense<0.000000e+00> : vector<6400x64xf32>
    %dot_general3A_305 = tpu.matmul %concatenate3A_303, %get3A_5, %dot_general3A_304 {dimension_numbers = #tpu.dot_dimension_numbers<[1], [0], [0], [1], [0, 0, 1, 1], [], []>, transpose_lhs_hint = false} : vector<6400x64xf32>, vector<64x64xf32>, vector<6400x64xf32> -> vector<6400x64xf32>
    %add3A_306 = vector.broadcast %get3A_8 : vector<1x64xf32> to vector<6400x64xf32>
    %add3A_307 = arith.addf %dot_general3A_305, %add3A_306 : vector<6400x64xf32>
    %max3A_308 = arith.constant 0.000000e+00 : f32
    %max3A_309 = vector.broadcast %max3A_308 : f32 to vector<6400x64xf32>
    %max3A_310 = arith.maximumf %add3A_307, %max3A_309 : vector<6400x64xf32>
    %mul3A_311 = vector.broadcast %get3A_11 : vector<1x64xf32> to vector<6400x64xf32>
    %mul3A_312 = arith.mulf %max3A_310, %mul3A_311 : vector<6400x64xf32>
    %reshape3A_313 = vector.shape_cast %mul3A_312 : vector<6400x64xf32> to vector<25x256x64xf32>
    %reshape3A_314 = vector.shape_cast %concatenate3A_303 : vector<6400x64xf32> to vector<25x256x64xf32>
    %reduce_sum3A_315 = arith.constant dense<0.000000e+00> : vector<25x256xf32>
    %reduce_sum3A_316 = vector.multi_reduction <add>, %reshape3A_313, %reduce_sum3A_315 [2] : vector<25x256x64xf32> to vector<25x256xf32>
    %reduce_sum3A_317 = arith.constant dense<0.000000e+00> : vector<25x256xf32>
    %reduce_sum3A_318 = vector.multi_reduction <add>, %reshape3A_314, %reduce_sum3A_317 [2] : vector<25x256x64xf32> to vector<25x256xf32>
    %reduce_max3A_319 = arith.constant dense<0xFF800000> : vector<256xf32>
    %reduce_max3A_320 = vector.multi_reduction <maximumf>, %reduce_sum3A_316, %reduce_max3A_319 [0] : vector<25x256xf32> to vector<256xf32>
    %max3A_321 = arith.maximumf %max3A_279, %reduce_max3A_320 : vector<256xf32>
    %sub3A_322 = arith.subf %max3A_279, %max3A_321 : vector<256xf32>
    %exp3A_323 = math.exp %sub3A_322 : vector<256xf32>
    %broadcast_in_dim3A_324 = vector.shape_cast %max3A_321 : vector<256xf32> to vector<1x256xf32>
    %sub3A_325 = vector.broadcast %broadcast_in_dim3A_324 : vector<1x256xf32> to vector<25x256xf32>
    %sub3A_326 = arith.subf %reduce_sum3A_316, %sub3A_325 : vector<25x256xf32>
    %exp3A_327 = math.exp %sub3A_326 : vector<25x256xf32>
    %mul3A_328 = arith.mulf %add3A_289, %exp3A_323 : vector<256xf32>
    %reduce_sum3A_329 = arith.constant dense<0.000000e+00> : vector<256xf32>
    %reduce_sum3A_330 = vector.multi_reduction <add>, %exp3A_327, %reduce_sum3A_329 [0] : vector<25x256xf32> to vector<256xf32>
    %add3A_331 = arith.addf %mul3A_328, %reduce_sum3A_330 : vector<256xf32>
    %mul3A_332 = arith.mulf %add3A_294, %exp3A_323 : vector<256xf32>
    %mul3A_333 = arith.mulf %exp3A_327, %reduce_sum3A_318 : vector<25x256xf32>
    %reduce_sum3A_334 = arith.constant dense<0.000000e+00> : vector<256xf32>
    %reduce_sum3A_335 = vector.multi_reduction <add>, %mul3A_333, %reduce_sum3A_334 [0] : vector<25x256xf32> to vector<256xf32>
    %add3A_336 = arith.addf %mul3A_332, %reduce_sum3A_335 : vector<256xf32>
    %slice3A_337 = vector.extract_strided_slice %get3A_2 {offsets = [0, 0, 0], sizes = [17, 256, 64], strides = [1, 1, 1]} : vector<26x256x64xf32> to vector<17x256x64xf32>
    %slice3A_338 = vector.extract_strided_slice %get3A_2 {offsets = [9, 0, 0], sizes = [17, 256, 64], strides = [1, 1, 1]} : vector<26x256x64xf32> to vector<17x256x64xf32>
    %mul3A_339 = arith.mulf %slice3A_337, %slice3A_338 : vector<17x256x64xf32>
    %reshape3A_340 = vector.shape_cast %mul3A_339 : vector<17x256x64xf32> to vector<4352x64xf32>
    %slice3A_341 = vector.extract_strided_slice %get3A_2 {offsets = [0, 0, 0], sizes = [8, 256, 64], strides = [1, 1, 1]} : vector<26x256x64xf32> to vector<8x256x64xf32>
    %slice3A_342 = vector.extract_strided_slice %get3A_2 {offsets = [18, 0, 0], sizes = [8, 256, 64], strides = [1, 1, 1]} : vector<26x256x64xf32> to vector<8x256x64xf32>
    %mul3A_343 = arith.mulf %slice3A_341, %slice3A_342 : vector<8x256x64xf32>
    %reshape3A_344 = vector.shape_cast %mul3A_343 : vector<8x256x64xf32> to vector<2048x64xf32>
    %concatenate3A_345 = tpu.concatenate %reshape3A_340, %reshape3A_344 in 0 : vector<4352x64xf32>, vector<2048x64xf32> -> vector<6400x64xf32>
    %dot_general3A_346 = arith.constant dense<0.000000e+00> : vector<6400x64xf32>
    %dot_general3A_347 = tpu.matmul %concatenate3A_345, %get3A_5, %dot_general3A_346 {dimension_numbers = #tpu.dot_dimension_numbers<[1], [0], [0], [1], [0, 0, 1, 1], [], []>, transpose_lhs_hint = false} : vector<6400x64xf32>, vector<64x64xf32>, vector<6400x64xf32> -> vector<6400x64xf32>
    %add3A_348 = vector.broadcast %get3A_8 : vector<1x64xf32> to vector<6400x64xf32>
    %add3A_349 = arith.addf %dot_general3A_347, %add3A_348 : vector<6400x64xf32>
    %max3A_350 = arith.constant 0.000000e+00 : f32
    %max3A_351 = vector.broadcast %max3A_350 : f32 to vector<6400x64xf32>
    %max3A_352 = arith.maximumf %add3A_349, %max3A_351 : vector<6400x64xf32>
    %mul3A_353 = vector.broadcast %get3A_11 : vector<1x64xf32> to vector<6400x64xf32>
    %mul3A_354 = arith.mulf %max3A_352, %mul3A_353 : vector<6400x64xf32>
    %reshape3A_355 = vector.shape_cast %mul3A_354 : vector<6400x64xf32> to vector<25x256x64xf32>
    %reshape3A_356 = vector.shape_cast %concatenate3A_345 : vector<6400x64xf32> to vector<25x256x64xf32>
    %reduce_sum3A_357 = arith.constant dense<0.000000e+00> : vector<25x256xf32>
    %reduce_sum3A_358 = vector.multi_reduction <add>, %reshape3A_355, %reduce_sum3A_357 [2] : vector<25x256x64xf32> to vector<25x256xf32>
    %reduce_sum3A_359 = arith.constant dense<0.000000e+00> : vector<25x256xf32>
    %reduce_sum3A_360 = vector.multi_reduction <add>, %reshape3A_356, %reduce_sum3A_359 [2] : vector<25x256x64xf32> to vector<25x256xf32>
    %reduce_max3A_361 = arith.constant dense<0xFF800000> : vector<256xf32>
    %reduce_max3A_362 = vector.multi_reduction <maximumf>, %reduce_sum3A_358, %reduce_max3A_361 [0] : vector<25x256xf32> to vector<256xf32>
    %max3A_363 = arith.maximumf %max3A_321, %reduce_max3A_362 : vector<256xf32>
    %sub3A_364 = arith.subf %max3A_321, %max3A_363 : vector<256xf32>
    %exp3A_365 = math.exp %sub3A_364 : vector<256xf32>
    %broadcast_in_dim3A_366 = vector.shape_cast %max3A_363 : vector<256xf32> to vector<1x256xf32>
    %sub3A_367 = vector.broadcast %broadcast_in_dim3A_366 : vector<1x256xf32> to vector<25x256xf32>
    %sub3A_368 = arith.subf %reduce_sum3A_358, %sub3A_367 : vector<25x256xf32>
    %exp3A_369 = math.exp %sub3A_368 : vector<25x256xf32>
    %mul3A_370 = arith.mulf %add3A_331, %exp3A_365 : vector<256xf32>
    %reduce_sum3A_371 = arith.constant dense<0.000000e+00> : vector<256xf32>
    %reduce_sum3A_372 = vector.multi_reduction <add>, %exp3A_369, %reduce_sum3A_371 [0] : vector<25x256xf32> to vector<256xf32>
    %add3A_373 = arith.addf %mul3A_370, %reduce_sum3A_372 : vector<256xf32>
    %mul3A_374 = arith.mulf %add3A_336, %exp3A_365 : vector<256xf32>
    %mul3A_375 = arith.mulf %exp3A_369, %reduce_sum3A_360 : vector<25x256xf32>
    %reduce_sum3A_376 = arith.constant dense<0.000000e+00> : vector<256xf32>
    %reduce_sum3A_377 = vector.multi_reduction <add>, %mul3A_375, %reduce_sum3A_376 [0] : vector<25x256xf32> to vector<256xf32>
    %add3A_378 = arith.addf %mul3A_374, %reduce_sum3A_377 : vector<256xf32>
    %slice3A_379 = vector.extract_strided_slice %get3A_2 {offsets = [0, 0, 0], sizes = [16, 256, 64], strides = [1, 1, 1]} : vector<26x256x64xf32> to vector<16x256x64xf32>
    %slice3A_380 = vector.extract_strided_slice %get3A_2 {offsets = [10, 0, 0], sizes = [16, 256, 64], strides = [1, 1, 1]} : vector<26x256x64xf32> to vector<16x256x64xf32>
    %mul3A_381 = arith.mulf %slice3A_379, %slice3A_380 : vector<16x256x64xf32>
    %reshape3A_382 = vector.shape_cast %mul3A_381 : vector<16x256x64xf32> to vector<4096x64xf32>
    %slice3A_383 = vector.extract_strided_slice %get3A_2 {offsets = [0, 0, 0], sizes = [9, 256, 64], strides = [1, 1, 1]} : vector<26x256x64xf32> to vector<9x256x64xf32>
    %slice3A_384 = vector.extract_strided_slice %get3A_2 {offsets = [17, 0, 0], sizes = [9, 256, 64], strides = [1, 1, 1]} : vector<26x256x64xf32> to vector<9x256x64xf32>
    %mul3A_385 = arith.mulf %slice3A_383, %slice3A_384 : vector<9x256x64xf32>
    %reshape3A_386 = vector.shape_cast %mul3A_385 : vector<9x256x64xf32> to vector<2304x64xf32>
    %concatenate3A_387 = tpu.concatenate %reshape3A_382, %reshape3A_386 in 0 : vector<4096x64xf32>, vector<2304x64xf32> -> vector<6400x64xf32>
    %dot_general3A_388 = arith.constant dense<0.000000e+00> : vector<6400x64xf32>
    %dot_general3A_389 = tpu.matmul %concatenate3A_387, %get3A_5, %dot_general3A_388 {dimension_numbers = #tpu.dot_dimension_numbers<[1], [0], [0], [1], [0, 0, 1, 1], [], []>, transpose_lhs_hint = false} : vector<6400x64xf32>, vector<64x64xf32>, vector<6400x64xf32> -> vector<6400x64xf32>
    %add3A_390 = vector.broadcast %get3A_8 : vector<1x64xf32> to vector<6400x64xf32>
    %add3A_391 = arith.addf %dot_general3A_389, %add3A_390 : vector<6400x64xf32>
    %max3A_392 = arith.constant 0.000000e+00 : f32
    %max3A_393 = vector.broadcast %max3A_392 : f32 to vector<6400x64xf32>
    %max3A_394 = arith.maximumf %add3A_391, %max3A_393 : vector<6400x64xf32>
    %mul3A_395 = vector.broadcast %get3A_11 : vector<1x64xf32> to vector<6400x64xf32>
    %mul3A_396 = arith.mulf %max3A_394, %mul3A_395 : vector<6400x64xf32>
    %reshape3A_397 = vector.shape_cast %mul3A_396 : vector<6400x64xf32> to vector<25x256x64xf32>
    %reshape3A_398 = vector.shape_cast %concatenate3A_387 : vector<6400x64xf32> to vector<25x256x64xf32>
    %reduce_sum3A_399 = arith.constant dense<0.000000e+00> : vector<25x256xf32>
    %reduce_sum3A_400 = vector.multi_reduction <add>, %reshape3A_397, %reduce_sum3A_399 [2] : vector<25x256x64xf32> to vector<25x256xf32>
    %reduce_sum3A_401 = arith.constant dense<0.000000e+00> : vector<25x256xf32>
    %reduce_sum3A_402 = vector.multi_reduction <add>, %reshape3A_398, %reduce_sum3A_401 [2] : vector<25x256x64xf32> to vector<25x256xf32>
    %reduce_max3A_403 = arith.constant dense<0xFF800000> : vector<256xf32>
    %reduce_max3A_404 = vector.multi_reduction <maximumf>, %reduce_sum3A_400, %reduce_max3A_403 [0] : vector<25x256xf32> to vector<256xf32>
    %max3A_405 = arith.maximumf %max3A_363, %reduce_max3A_404 : vector<256xf32>
    %sub3A_406 = arith.subf %max3A_363, %max3A_405 : vector<256xf32>
    %exp3A_407 = math.exp %sub3A_406 : vector<256xf32>
    %broadcast_in_dim3A_408 = vector.shape_cast %max3A_405 : vector<256xf32> to vector<1x256xf32>
    %sub3A_409 = vector.broadcast %broadcast_in_dim3A_408 : vector<1x256xf32> to vector<25x256xf32>
    %sub3A_410 = arith.subf %reduce_sum3A_400, %sub3A_409 : vector<25x256xf32>
    %exp3A_411 = math.exp %sub3A_410 : vector<25x256xf32>
    %mul3A_412 = arith.mulf %add3A_373, %exp3A_407 : vector<256xf32>
    %reduce_sum3A_413 = arith.constant dense<0.000000e+00> : vector<256xf32>
    %reduce_sum3A_414 = vector.multi_reduction <add>, %exp3A_411, %reduce_sum3A_413 [0] : vector<25x256xf32> to vector<256xf32>
    %add3A_415 = arith.addf %mul3A_412, %reduce_sum3A_414 : vector<256xf32>
    %mul3A_416 = arith.mulf %add3A_378, %exp3A_407 : vector<256xf32>
    %mul3A_417 = arith.mulf %exp3A_411, %reduce_sum3A_402 : vector<25x256xf32>
    %reduce_sum3A_418 = arith.constant dense<0.000000e+00> : vector<256xf32>
    %reduce_sum3A_419 = vector.multi_reduction <add>, %mul3A_417, %reduce_sum3A_418 [0] : vector<25x256xf32> to vector<256xf32>
    %add3A_420 = arith.addf %mul3A_416, %reduce_sum3A_419 : vector<256xf32>
    %slice3A_421 = vector.extract_strided_slice %get3A_2 {offsets = [0, 0, 0], sizes = [15, 256, 64], strides = [1, 1, 1]} : vector<26x256x64xf32> to vector<15x256x64xf32>
    %slice3A_422 = vector.extract_strided_slice %get3A_2 {offsets = [11, 0, 0], sizes = [15, 256, 64], strides = [1, 1, 1]} : vector<26x256x64xf32> to vector<15x256x64xf32>
    %mul3A_423 = arith.mulf %slice3A_421, %slice3A_422 : vector<15x256x64xf32>
    %reshape3A_424 = vector.shape_cast %mul3A_423 : vector<15x256x64xf32> to vector<3840x64xf32>
    %slice3A_425 = vector.extract_strided_slice %get3A_2 {offsets = [0, 0, 0], sizes = [10, 256, 64], strides = [1, 1, 1]} : vector<26x256x64xf32> to vector<10x256x64xf32>
    %slice3A_426 = vector.extract_strided_slice %get3A_2 {offsets = [16, 0, 0], sizes = [10, 256, 64], strides = [1, 1, 1]} : vector<26x256x64xf32> to vector<10x256x64xf32>
    %mul3A_427 = arith.mulf %slice3A_425, %slice3A_426 : vector<10x256x64xf32>
    %reshape3A_428 = vector.shape_cast %mul3A_427 : vector<10x256x64xf32> to vector<2560x64xf32>
    %concatenate3A_429 = tpu.concatenate %reshape3A_424, %reshape3A_428 in 0 : vector<3840x64xf32>, vector<2560x64xf32> -> vector<6400x64xf32>
    %dot_general3A_430 = arith.constant dense<0.000000e+00> : vector<6400x64xf32>
    %dot_general3A_431 = tpu.matmul %concatenate3A_429, %get3A_5, %dot_general3A_430 {dimension_numbers = #tpu.dot_dimension_numbers<[1], [0], [0], [1], [0, 0, 1, 1], [], []>, transpose_lhs_hint = false} : vector<6400x64xf32>, vector<64x64xf32>, vector<6400x64xf32> -> vector<6400x64xf32>
    %add3A_432 = vector.broadcast %get3A_8 : vector<1x64xf32> to vector<6400x64xf32>
    %add3A_433 = arith.addf %dot_general3A_431, %add3A_432 : vector<6400x64xf32>
    %max3A_434 = arith.constant 0.000000e+00 : f32
    %max3A_435 = vector.broadcast %max3A_434 : f32 to vector<6400x64xf32>
    %max3A_436 = arith.maximumf %add3A_433, %max3A_435 : vector<6400x64xf32>
    %mul3A_437 = vector.broadcast %get3A_11 : vector<1x64xf32> to vector<6400x64xf32>
    %mul3A_438 = arith.mulf %max3A_436, %mul3A_437 : vector<6400x64xf32>
    %reshape3A_439 = vector.shape_cast %mul3A_438 : vector<6400x64xf32> to vector<25x256x64xf32>
    %reshape3A_440 = vector.shape_cast %concatenate3A_429 : vector<6400x64xf32> to vector<25x256x64xf32>
    %reduce_sum3A_441 = arith.constant dense<0.000000e+00> : vector<25x256xf32>
    %reduce_sum3A_442 = vector.multi_reduction <add>, %reshape3A_439, %reduce_sum3A_441 [2] : vector<25x256x64xf32> to vector<25x256xf32>
    %reduce_sum3A_443 = arith.constant dense<0.000000e+00> : vector<25x256xf32>
    %reduce_sum3A_444 = vector.multi_reduction <add>, %reshape3A_440, %reduce_sum3A_443 [2] : vector<25x256x64xf32> to vector<25x256xf32>
    %reduce_max3A_445 = arith.constant dense<0xFF800000> : vector<256xf32>
    %reduce_max3A_446 = vector.multi_reduction <maximumf>, %reduce_sum3A_442, %reduce_max3A_445 [0] : vector<25x256xf32> to vector<256xf32>
    %max3A_447 = arith.maximumf %max3A_405, %reduce_max3A_446 : vector<256xf32>
    %sub3A_448 = arith.subf %max3A_405, %max3A_447 : vector<256xf32>
    %exp3A_449 = math.exp %sub3A_448 : vector<256xf32>
    %broadcast_in_dim3A_450 = vector.shape_cast %max3A_447 : vector<256xf32> to vector<1x256xf32>
    %sub3A_451 = vector.broadcast %broadcast_in_dim3A_450 : vector<1x256xf32> to vector<25x256xf32>
    %sub3A_452 = arith.subf %reduce_sum3A_442, %sub3A_451 : vector<25x256xf32>
    %exp3A_453 = math.exp %sub3A_452 : vector<25x256xf32>
    %mul3A_454 = arith.mulf %add3A_415, %exp3A_449 : vector<256xf32>
    %reduce_sum3A_455 = arith.constant dense<0.000000e+00> : vector<256xf32>
    %reduce_sum3A_456 = vector.multi_reduction <add>, %exp3A_453, %reduce_sum3A_455 [0] : vector<25x256xf32> to vector<256xf32>
    %add3A_457 = arith.addf %mul3A_454, %reduce_sum3A_456 : vector<256xf32>
    %mul3A_458 = arith.mulf %add3A_420, %exp3A_449 : vector<256xf32>
    %mul3A_459 = arith.mulf %exp3A_453, %reduce_sum3A_444 : vector<25x256xf32>
    %reduce_sum3A_460 = arith.constant dense<0.000000e+00> : vector<256xf32>
    %reduce_sum3A_461 = vector.multi_reduction <add>, %mul3A_459, %reduce_sum3A_460 [0] : vector<25x256xf32> to vector<256xf32>
    %add3A_462 = arith.addf %mul3A_458, %reduce_sum3A_461 : vector<256xf32>
    %slice3A_463 = vector.extract_strided_slice %get3A_2 {offsets = [0, 0, 0], sizes = [14, 256, 64], strides = [1, 1, 1]} : vector<26x256x64xf32> to vector<14x256x64xf32>
    %slice3A_464 = vector.extract_strided_slice %get3A_2 {offsets = [12, 0, 0], sizes = [14, 256, 64], strides = [1, 1, 1]} : vector<26x256x64xf32> to vector<14x256x64xf32>
    %mul3A_465 = arith.mulf %slice3A_463, %slice3A_464 : vector<14x256x64xf32>
    %reshape3A_466 = vector.shape_cast %mul3A_465 : vector<14x256x64xf32> to vector<3584x64xf32>
    %slice3A_467 = vector.extract_strided_slice %get3A_2 {offsets = [0, 0, 0], sizes = [11, 256, 64], strides = [1, 1, 1]} : vector<26x256x64xf32> to vector<11x256x64xf32>
    %slice3A_468 = vector.extract_strided_slice %get3A_2 {offsets = [15, 0, 0], sizes = [11, 256, 64], strides = [1, 1, 1]} : vector<26x256x64xf32> to vector<11x256x64xf32>
    %mul3A_469 = arith.mulf %slice3A_467, %slice3A_468 : vector<11x256x64xf32>
    %reshape3A_470 = vector.shape_cast %mul3A_469 : vector<11x256x64xf32> to vector<2816x64xf32>
    %concatenate3A_471 = tpu.concatenate %reshape3A_466, %reshape3A_470 in 0 : vector<3584x64xf32>, vector<2816x64xf32> -> vector<6400x64xf32>
    %dot_general3A_472 = arith.constant dense<0.000000e+00> : vector<6400x64xf32>
    %dot_general3A_473 = tpu.matmul %concatenate3A_471, %get3A_5, %dot_general3A_472 {dimension_numbers = #tpu.dot_dimension_numbers<[1], [0], [0], [1], [0, 0, 1, 1], [], []>, transpose_lhs_hint = false} : vector<6400x64xf32>, vector<64x64xf32>, vector<6400x64xf32> -> vector<6400x64xf32>
    %add3A_474 = vector.broadcast %get3A_8 : vector<1x64xf32> to vector<6400x64xf32>
    %add3A_475 = arith.addf %dot_general3A_473, %add3A_474 : vector<6400x64xf32>
    %max3A_476 = arith.constant 0.000000e+00 : f32
    %max3A_477 = vector.broadcast %max3A_476 : f32 to vector<6400x64xf32>
    %max3A_478 = arith.maximumf %add3A_475, %max3A_477 : vector<6400x64xf32>
    %mul3A_479 = vector.broadcast %get3A_11 : vector<1x64xf32> to vector<6400x64xf32>
    %mul3A_480 = arith.mulf %max3A_478, %mul3A_479 : vector<6400x64xf32>
    %reshape3A_481 = vector.shape_cast %mul3A_480 : vector<6400x64xf32> to vector<25x256x64xf32>
    %reshape3A_482 = vector.shape_cast %concatenate3A_471 : vector<6400x64xf32> to vector<25x256x64xf32>
    %reduce_sum3A_483 = arith.constant dense<0.000000e+00> : vector<25x256xf32>
    %reduce_sum3A_484 = vector.multi_reduction <add>, %reshape3A_481, %reduce_sum3A_483 [2] : vector<25x256x64xf32> to vector<25x256xf32>
    %reduce_sum3A_485 = arith.constant dense<0.000000e+00> : vector<25x256xf32>
    %reduce_sum3A_486 = vector.multi_reduction <add>, %reshape3A_482, %reduce_sum3A_485 [2] : vector<25x256x64xf32> to vector<25x256xf32>
    %reduce_max3A_487 = arith.constant dense<0xFF800000> : vector<256xf32>
    %reduce_max3A_488 = vector.multi_reduction <maximumf>, %reduce_sum3A_484, %reduce_max3A_487 [0] : vector<25x256xf32> to vector<256xf32>
    %max3A_489 = arith.maximumf %max3A_447, %reduce_max3A_488 : vector<256xf32>
    %sub3A_490 = arith.subf %max3A_447, %max3A_489 : vector<256xf32>
    %exp3A_491 = math.exp %sub3A_490 : vector<256xf32>
    %broadcast_in_dim3A_492 = vector.shape_cast %max3A_489 : vector<256xf32> to vector<1x256xf32>
    %sub3A_493 = vector.broadcast %broadcast_in_dim3A_492 : vector<1x256xf32> to vector<25x256xf32>
    %sub3A_494 = arith.subf %reduce_sum3A_484, %sub3A_493 : vector<25x256xf32>
    %exp3A_495 = math.exp %sub3A_494 : vector<25x256xf32>
    %mul3A_496 = arith.mulf %add3A_457, %exp3A_491 : vector<256xf32>
    %reduce_sum3A_497 = arith.constant dense<0.000000e+00> : vector<256xf32>
    %reduce_sum3A_498 = vector.multi_reduction <add>, %exp3A_495, %reduce_sum3A_497 [0] : vector<25x256xf32> to vector<256xf32>
    %add3A_499 = arith.addf %mul3A_496, %reduce_sum3A_498 : vector<256xf32>
    %mul3A_500 = arith.mulf %add3A_462, %exp3A_491 : vector<256xf32>
    %mul3A_501 = arith.mulf %exp3A_495, %reduce_sum3A_486 : vector<25x256xf32>
    %reduce_sum3A_502 = arith.constant dense<0.000000e+00> : vector<256xf32>
    %reduce_sum3A_503 = vector.multi_reduction <add>, %mul3A_501, %reduce_sum3A_502 [0] : vector<25x256xf32> to vector<256xf32>
    %add3A_504 = arith.addf %mul3A_500, %reduce_sum3A_503 : vector<256xf32>
    %slice3A_505 = vector.extract_strided_slice %get3A_2 {offsets = [0, 0, 0], sizes = [13, 256, 64], strides = [1, 1, 1]} : vector<26x256x64xf32> to vector<13x256x64xf32>
    %slice3A_506 = vector.extract_strided_slice %get3A_2 {offsets = [13, 0, 0], sizes = [13, 256, 64], strides = [1, 1, 1]} : vector<26x256x64xf32> to vector<13x256x64xf32>
    %mul3A_507 = arith.mulf %slice3A_505, %slice3A_506 : vector<13x256x64xf32>
    %reshape3A_508 = vector.shape_cast %mul3A_507 : vector<13x256x64xf32> to vector<3328x64xf32>
    %slice3A_509 = vector.extract_strided_slice %get3A_2 {offsets = [0, 0, 0], sizes = [12, 256, 64], strides = [1, 1, 1]} : vector<26x256x64xf32> to vector<12x256x64xf32>
    %slice3A_510 = vector.extract_strided_slice %get3A_2 {offsets = [14, 0, 0], sizes = [12, 256, 64], strides = [1, 1, 1]} : vector<26x256x64xf32> to vector<12x256x64xf32>
    %mul3A_511 = arith.mulf %slice3A_509, %slice3A_510 : vector<12x256x64xf32>
    %reshape3A_512 = vector.shape_cast %mul3A_511 : vector<12x256x64xf32> to vector<3072x64xf32>
    %concatenate3A_513 = tpu.concatenate %reshape3A_508, %reshape3A_512 in 0 : vector<3328x64xf32>, vector<3072x64xf32> -> vector<6400x64xf32>
    %dot_general3A_514 = arith.constant dense<0.000000e+00> : vector<6400x64xf32>
    %dot_general3A_515 = tpu.matmul %concatenate3A_513, %get3A_5, %dot_general3A_514 {dimension_numbers = #tpu.dot_dimension_numbers<[1], [0], [0], [1], [0, 0, 1, 1], [], []>, transpose_lhs_hint = false} : vector<6400x64xf32>, vector<64x64xf32>, vector<6400x64xf32> -> vector<6400x64xf32>
    %add3A_516 = vector.broadcast %get3A_8 : vector<1x64xf32> to vector<6400x64xf32>
    %add3A_517 = arith.addf %dot_general3A_515, %add3A_516 : vector<6400x64xf32>
    %max3A_518 = arith.constant 0.000000e+00 : f32
    %max3A_519 = vector.broadcast %max3A_518 : f32 to vector<6400x64xf32>
    %max3A_520 = arith.maximumf %add3A_517, %max3A_519 : vector<6400x64xf32>
    %mul3A_521 = vector.broadcast %get3A_11 : vector<1x64xf32> to vector<6400x64xf32>
    %mul3A_522 = arith.mulf %max3A_520, %mul3A_521 : vector<6400x64xf32>
    %reshape3A_523 = vector.shape_cast %mul3A_522 : vector<6400x64xf32> to vector<25x256x64xf32>
    %reshape3A_524 = vector.shape_cast %concatenate3A_513 : vector<6400x64xf32> to vector<25x256x64xf32>
    %reduce_sum3A_525 = arith.constant dense<0.000000e+00> : vector<25x256xf32>
    %reduce_sum3A_526 = vector.multi_reduction <add>, %reshape3A_523, %reduce_sum3A_525 [2] : vector<25x256x64xf32> to vector<25x256xf32>
    %reduce_sum3A_527 = arith.constant dense<0.000000e+00> : vector<25x256xf32>
    %reduce_sum3A_528 = vector.multi_reduction <add>, %reshape3A_524, %reduce_sum3A_527 [2] : vector<25x256x64xf32> to vector<25x256xf32>
    %reduce_max3A_529 = arith.constant dense<0xFF800000> : vector<256xf32>
    %reduce_max3A_530 = vector.multi_reduction <maximumf>, %reduce_sum3A_526, %reduce_max3A_529 [0] : vector<25x256xf32> to vector<256xf32>
    %max3A_531 = arith.maximumf %max3A_489, %reduce_max3A_530 : vector<256xf32>
    %sub3A_532 = arith.subf %max3A_489, %max3A_531 : vector<256xf32>
    %exp3A_533 = math.exp %sub3A_532 : vector<256xf32>
    %broadcast_in_dim3A_534 = vector.shape_cast %max3A_531 : vector<256xf32> to vector<1x256xf32>
    %sub3A_535 = vector.broadcast %broadcast_in_dim3A_534 : vector<1x256xf32> to vector<25x256xf32>
    %sub3A_536 = arith.subf %reduce_sum3A_526, %sub3A_535 : vector<25x256xf32>
    %exp3A_537 = math.exp %sub3A_536 : vector<25x256xf32>
    %mul3A_538 = arith.mulf %add3A_499, %exp3A_533 : vector<256xf32>
    %reduce_sum3A_539 = arith.constant dense<0.000000e+00> : vector<256xf32>
    %reduce_sum3A_540 = vector.multi_reduction <add>, %exp3A_537, %reduce_sum3A_539 [0] : vector<25x256xf32> to vector<256xf32>
    %add3A_541 = arith.addf %mul3A_538, %reduce_sum3A_540 : vector<256xf32>
    %mul3A_542 = arith.mulf %add3A_504, %exp3A_533 : vector<256xf32>
    %mul3A_543 = arith.mulf %exp3A_537, %reduce_sum3A_528 : vector<25x256xf32>
    %reduce_sum3A_544 = arith.constant dense<0.000000e+00> : vector<256xf32>
    %reduce_sum3A_545 = vector.multi_reduction <add>, %mul3A_543, %reduce_sum3A_544 [0] : vector<25x256xf32> to vector<256xf32>
    %add3A_546 = arith.addf %mul3A_542, %reduce_sum3A_545 : vector<256xf32>
    %div3A = arith.divf %add3A_546, %add3A_541 : vector<256xf32>
    %mul3A_547 = arith.constant 2 : i32
    %mul3A_548 = arith.muli %arg0, %mul3A_547 : i32
    %get3A_549 = arith.constant 0 : index
    %get3A_550 = arith.index_cast %mul3A_548 : i32 to index
    %get3A_551 = arith.constant 0 : index
    %get3A_552 = vector.load %arg2[%get3A_549, %get3A_550, %get3A_551] : memref<26x32x128xf32, #tpu.memory_space<vmem>>, vector<26x2x128xf32>
    %reduce_sum3A_553 = arith.constant dense<0.000000e+00> : vector<2x128xf32>
    %reduce_sum3A_554 = vector.multi_reduction <add>, %get3A_552, %reduce_sum3A_553 [0] : vector<26x2x128xf32> to vector<2x128xf32>
    %slice3A_555 = vector.extract_strided_slice %reduce_sum3A_554 {offsets = [0, 0], sizes = [1, 128], strides = [1, 1]} : vector<2x128xf32> to vector<1x128xf32>
    %squeeze3A = vector.shape_cast %slice3A_555 : vector<1x128xf32> to vector<128xf32>
    %slice3A_556 = vector.extract_strided_slice %reduce_sum3A_554 {offsets = [1, 0], sizes = [1, 128], strides = [1, 1]} : vector<2x128xf32> to vector<1x128xf32>
    %squeeze3A_557 = vector.shape_cast %slice3A_556 : vector<1x128xf32> to vector<128xf32>
    %concatenate3A_558 = tpu.concatenate %squeeze3A, %squeeze3A_557 in 0 : vector<128xf32>, vector<128xf32> -> vector<256xf32>
    %get3A_559 = arith.constant 0 : index
    %get3A_560 = arith.constant 0 : index
    %get3A_561 = vector.load %arg3[%get3A_559, %get3A_560] : memref<13x256xf32, #tpu.memory_space<vmem>>, vector<13x256xf32>
    %get3A_562 = arith.constant 0 : index
    %get3A_563 = arith.constant 0 : index
    %get3A_564 = vector.load %arg4[%get3A_562, %get3A_563] : memref<13x1xf32, #tpu.memory_space<vmem>>, vector<13x1xf32>
    %mul3A_565 = vector.broadcast %get3A_564 : vector<13x1xf32> to vector<13x256xf32>
    %mul3A_566 = arith.mulf %get3A_561, %mul3A_565 : vector<13x256xf32>
    %reduce_sum3A_567 = arith.constant dense<0.000000e+00> : vector<256xf32>
    %reduce_sum3A_568 = vector.multi_reduction <add>, %mul3A_566, %reduce_sum3A_567 [0] : vector<13x256xf32> to vector<256xf32>
    %get3A_569 = arith.constant 0 : index
    %get3A_570 = memref.load %arg5[%get3A_569] : memref<1xf32, #tpu.memory_space<smem>>
    %add3A_571 = vector.broadcast %get3A_570 : f32 to vector<256xf32>
    %add3A_572 = arith.addf %reduce_sum3A_568, %add3A_571 : vector<256xf32>
    %add3A_573 = arith.addf %add3A_572, %concatenate3A_558 : vector<256xf32>
    %add3A_574 = arith.addf %add3A_573, %div3A : vector<256xf32>
    %get3A_575 = arith.constant 0 : index
    %get3A_576 = memref.load %arg9[%get3A_575] : memref<1xf32, #tpu.memory_space<smem>>
    %mul3A_577 = vector.broadcast %get3A_576 : f32 to vector<256xf32>
    %mul3A_578 = arith.mulf %add3A_574, %mul3A_577 : vector<256xf32>
    %get3A_579 = arith.constant 0 : index
    %get3A_580 = memref.load %arg10[%get3A_579] : memref<1xf32, #tpu.memory_space<smem>>
    %add3A_581 = vector.broadcast %get3A_580 : f32 to vector<256xf32>
    %add3A_582 = arith.addf %mul3A_578, %add3A_581 : vector<256xf32>
    %logistic3A = arith.negf %add3A_582 : vector<256xf32>
    %logistic3A_583 = math.exp %logistic3A : vector<256xf32>
    %logistic3A_584 = arith.constant 1.000000e+00 : f32
    %logistic3A_585 = vector.broadcast %logistic3A_584 : f32 to vector<256xf32>
    %logistic3A_586 = arith.addf %logistic3A_585, %logistic3A_583 : vector<256xf32>
    %logistic3A_587 = arith.divf %logistic3A_585, %logistic3A_586 : vector<256xf32>
    %swap3A = arith.constant 0 : index
    %swap3A_588 = vector.load %arg13[%swap3A] : memref<256xf32, #tpu.memory_space<vmem>>, vector<256xf32>
    tpu.vector_store %arg13[%swap3A], %logistic3A_587 {strides = array<i32>} : memref<256xf32, #tpu.memory_space<vmem>>, vector<256xf32>,
    %get3A_589 = arith.constant 0 : index
    %get3A_590 = memref.load %arg11[%get3A_589] : memref<1xf32, #tpu.memory_space<smem>>
    %mul3A_591 = vector.broadcast %get3A_590 : f32 to vector<256xf32>
    %mul3A_592 = arith.mulf %add3A_574, %mul3A_591 : vector<256xf32>
    %get3A_593 = arith.constant 0 : index
    %get3A_594 = memref.load %arg12[%get3A_593] : memref<1xf32, #tpu.memory_space<smem>>
    %add3A_595 = vector.broadcast %get3A_594 : f32 to vector<256xf32>
    %add3A_596 = arith.addf %mul3A_592, %add3A_595 : vector<256xf32>
    %logistic3A_597 = arith.negf %add3A_596 : vector<256xf32>
    %logistic3A_598 = math.exp %logistic3A_597 : vector<256xf32>
    %logistic3A_599 = arith.constant 1.000000e+00 : f32
    %logistic3A_600 = vector.broadcast %logistic3A_599 : f32 to vector<256xf32>
    %logistic3A_601 = arith.addf %logistic3A_600, %logistic3A_598 : vector<256xf32>
    %logistic3A_602 = arith.divf %logistic3A_600, %logistic3A_601 : vector<256xf32>
    %swap3A_603 = arith.constant 0 : index
    %swap3A_604 = vector.load %arg14[%swap3A_603] : memref<256xf32, #tpu.memory_space<vmem>>, vector<256xf32>
    tpu.vector_store %arg14[%swap3A_603], %logistic3A_602 {strides = array<i32>} : memref<256xf32, #tpu.memory_space<vmem>>, vector<256xf32>,
    return
  }
  func.func @transform_0(%arg0: i32) -> (i32, i32, i32) {
    %c0_i32 = arith.constant 0 : i32
    %c0_i32_0 = arith.constant 0 : i32
    %c0_i32_1 = arith.constant 0 : i32
    return %c0_i32, %arg0, %c0_i32_0 : i32, i32, i32
  }
  func.func @transform_1(%arg0: i32) -> (i32, i32, i32) {
    %c0_i32 = arith.constant 0 : i32
    %c0_i32_0 = arith.constant 0 : i32
    %c0_i32_1 = arith.constant 0 : i32
    %c0_i32_2 = arith.constant 0 : i32
    return %c0_i32, %c0_i32_0, %c0_i32_1 : i32, i32, i32
  }
  func.func @transform_2(%arg0: i32) -> (i32, i32) {
    %c0_i32 = arith.constant 0 : i32
    %c0_i32_0 = arith.constant 0 : i32
    return %c0_i32, %arg0 : i32, i32
  }
  func.func @transform_3(%arg0: i32) -> (i32, i32) {
    %c0_i32 = arith.constant 0 : i32
    %c0_i32_0 = arith.constant 0 : i32
    %c0_i32_1 = arith.constant 0 : i32
    return %c0_i32, %c0_i32_0 : i32, i32
  }
  func.func @transform_4(%arg0: i32) -> i32 {
    %c0_i32 = arith.constant 0 : i32
    %c0_i32_0 = arith.constant 0 : i32
    return %c0_i32 : i32
  }
  func.func @transform_5(%arg0: i32) -> (i32, i32) {
    %c0_i32 = arith.constant 0 : i32
    %c0_i32_0 = arith.constant 0 : i32
    %c0_i32_1 = arith.constant 0 : i32
    return %c0_i32, %c0_i32_0 : i32, i32
  }
  func.func @transform_6(%arg0: i32) -> (i32, i32) {
    %c0_i32 = arith.constant 0 : i32
    %c0_i32_0 = arith.constant 0 : i32
    %c0_i32_1 = arith.constant 0 : i32
    return %c0_i32, %c0_i32_0 : i32, i32
  }
  func.func @transform_7(%arg0: i32) -> (i32, i32) {
    %c0_i32 = arith.constant 0 : i32
    %c0_i32_0 = arith.constant 0 : i32
    %c0_i32_1 = arith.constant 0 : i32
    return %c0_i32, %c0_i32_0 : i32, i32
  }
  func.func @transform_8(%arg0: i32) -> i32 {
    %c0_i32 = arith.constant 0 : i32
    %c0_i32_0 = arith.constant 0 : i32
    return %c0_i32 : i32
  }
  func.func @transform_9(%arg0: i32) -> i32 {
    %c0_i32 = arith.constant 0 : i32
    %c0_i32_0 = arith.constant 0 : i32
    return %c0_i32 : i32
  }
  func.func @transform_10(%arg0: i32) -> i32 {
    %c0_i32 = arith.constant 0 : i32
    %c0_i32_0 = arith.constant 0 : i32
    return %c0_i32 : i32
  }
  func.func @transform_11(%arg0: i32) -> i32 {
    %c0_i32 = arith.constant 0 : i32
    %c0_i32_0 = arith.constant 0 : i32
    return %c0_i32 : i32
  }
  func.func @transform_12(%arg0: i32) -> i32 {
    %c0_i32 = arith.constant 0 : i32
    return %arg0 : i32
  }
  func.func @transform_13(%arg0: i32) -> i32 {
    %c0_i32 = arith.constant 0 : i32
    return %arg0 : i32
  }
}

</mosaic_0001>

<sc_bundles>
// kernel: kernel.4.cloned.1.call-start
scs
__scs_entry_jumppad:
0x0: {  	(pc) =	sbr.rel $0x88, $3  }
0x1: {  	(tag) =	ssettag $0x0;
	lr =	simm.s32 $0x1  }
0x2: {  	[smem:$0x3F94] =	sst lr;
	_ =	strace $0xD0000000  }
0x3: {  	_ = 	snop  }
0x4: {  	_ = 	snop  }
0x5: {  	_ = 	snop  }
0x6: {  	_ = 	snop  }
0x7: {  	_ = 	snop  }
__scs_overlays_trampoline_lowered:
0x8: {  	[smem:$0x3FA3] =	sst s0  }
0x9: {  	[smem:$0x3FA4] =	sst s1  }
0xa: {  	[smem:$0x3FA5] =	sst s2  }
0xb: {  	[smem:$0x3FA6] =	sst s3  }
0xc: {  	[smem:$0x3FA7] =	sst s4  }
0xd: {  	[smem:$0x3FA8] =	sst s5  }
0xe: {  	[smem:$0x3FA9] =	sst s6  }
0xf: {  	[smem:$0x3FAA] =	sst s7  }
0x10: {  	[smem:$0x3FAB] =	sst s8  }
0x11: {  	[smem:$0x3FAC] =	sst s9;
	s0 =	simm.s32 @!p0 $0x0  }
0x12: {  	s1 =	sld [smem:$0x3F92];
	s0 =	simm.s32 @p0 $0x1  }
0x13: {  	[smem:$0x3FAD] =	sst s0;
	s0 =	simm.s32 @!p1 $0x0  }
0x14: {  	s2 =	sld [smem:$0x3F91];
	s0 =	simm.s32 @p1 $0x1  }
0x15: {  	[smem:$0x3FAE] =	sst s0;
	s0 =	simm.s32 @!p2 $0x0  }
0x16: {  	s3 =	sld [smem:$0x3FDB];
	s0 =	simm.s32 @p2 $0x1  }
0x17: {  	s4 =	simm.s32 $0x1BF5;
	[smem:$0x3FB0] =	sst s0  }
0x18: {  	s0 =	sld [smem:$0x3F93];
	_ =	swait.ge [sflag:s4], $0x0  }
0x19: {  	s7 =	sld [smem:$0x3F94]  }
0x1a: {  	s8 =	sadd.s32 $0xFFFFE003, lr  }
0x1b: {  	s9 =	sadd.s32 $0xFFFFFEF7, lr;
	s5 =	simm.s32 $0xFFFFFFFF;
	p2 =	slt.u32 s8, $0xFFFFF086  }
0x1c: {  	p1 =	slt.u32 s9, $0xF7A;
	s5 =	simm.s32 @!p2 $0x0  }
0x1d: {  	s5 =	simm.s32 @p1 $0x1;
	p0 =	seq.s32 s7, s2  }
0x1e: {  	s7 =	smul.u32 @!p0 $0xF7A, s2;
	p2 =	seq.s32 @!p0 s5, $0x0  }
0x1f: {  	s9 =	smul.u32 $0xF7A, s1;
	s8 =	simm.s32 @!p0 $0x1BF5;
	p2 =	por !p2, p0  }
0x20: {  	[sflag:s8] =	ssyncset.s32 @!p0 $0xFFFFF086;
	s6 =	sadd.s32 @!p0 s3, s7;
	s7 =	simm.s32 @!p0 $0x108  }
0x21: {  	s3 =	sadd.s32 s3, s9;
	s6 =	sadd.s32 @!p0 $0x88, s6;
	s7 =	simm.s32 @p2 $0x1082  }
0x22: {  	[simem:s7], [sflag:s8] =	dma.local @!p0 [hbm:s6], $0xF7A  }
0x23: {  	s9 =	sor.u32 $0xD0000000, s2;
	s6 =	simm.s32 $0x108;
	_ =	swait.ge @!p0 [sflag:s8], $0x0  }
0x24: {  	s3 =	sadd.s32 $0x88, s3;
	s6 =	simm.s32 @!p1 $0x1082;
	[sflag:s4] =	ssyncset.s32 $0xFFFFF086  }
0x25: {  	[simem:s6], [sflag:s4] =	dma.local [hbm:s3], $0xF7A  }
0x26: {  	[smem:$0x3F94] =	sst s1;
	(tag) =	ssettag s2;
	_ =	strace s9  }
0x27: {  	s1 =	sld [smem:$0x3FA4]  }
0x28: {  	s2 =	sld [smem:$0x3FA5]  }
0x29: {  	s4 =	sld [smem:$0x3FA7]  }
0x2a: {  	p0 =	seq.s32 s5, $0x0;
	s5 =	sld [smem:$0x3FA8]  }
0x2b: {  	s6 =	sld [smem:$0x3FA9]  }
0x2c: {  	s7 =	sld [smem:$0x3FAA]  }
0x2d: {  	s3 =	simm.s32 $0x108;
	s8 =	sld [smem:$0x3FAB]  }
0x2e: {  	s3 =	simm.s32 @!p0 $0x1082;
	s9 =	sld [smem:$0x3FAC]  }
0x2f: {  	lr =	sadd.s32 s0, s3;
	s0 =	sld [smem:$0x3FA3]  }
0x30: {  	s3 =	sld [smem:$0x3FA6]  }
0x31: {  	[smem:$0x3FAF] =	sst s10  }
0x32: {  	s10 =	sld [smem:$0x3FAD];
	_ =	sdelay $0x3  }
0x33: {  	p0 =	seq.s32 s10, $0x1;
	s10 =	sld [smem:$0x3FAF];
	_ =	sdelay $0x3  }
0x34: {  	[smem:$0x3FAF] =	sst s10  }
0x35: {  	s10 =	sld [smem:$0x3FAE];
	_ =	sdelay $0x3  }
0x36: {  	p1 =	seq.s32 s10, $0x1;
	s10 =	sld [smem:$0x3FAF];
	_ =	sdelay $0x3  }
0x37: {  	[smem:$0x3FAF] =	sst s10  }
0x38: {  	s10 =	sld [smem:$0x3FB0]  }
0x39: {  	_ = 	snop;
	(pc) =	sbr.ind lr, $3  }
0x3a: {  	_ = 	snop  }
0x3b: {  	_ = 	snop  }
0x3c: {  	p2 =	seq.s32 s10, $0x1;
	s10 =	sld [smem:$0x3FAF]  }
0x3d: {  	_ =	shalt  }
0x3e: {  	_ =	shalt  }
0x3f: {  	_ =	shalt  }
0x40: {  	_ =	shalt  }
0x41: {  	_ =	shalt  }
0x42: {  	_ =	shalt  }
0x43: {  	_ =	shalt  }
0x44: {  	_ =	shalt  }
0x45: {  	_ =	shalt  }
0x46: {  	_ =	shalt  }
0x47: {  	_ =	shalt  }
0x48: {  	_ =	shalt  }
0x49: {  	_ =	shalt  }
0x4a: {  	_ =	shalt  }
0x4b: {  	_ =	shalt  }
0x4c: {  	_ =	shalt  }
0x4d: {  	_ =	shalt  }
0x4e: {  	_ =	shalt  }
0x4f: {  	_ =	shalt  }
0x50: {  	_ =	shalt  }
0x51: {  	_ =	shalt  }
0x52: {  	_ =	shalt  }
0x53: {  	_ =	shalt  }
0x54: {  	_ =	shalt  }
0x55: {  	_ =	shalt  }
0x56: {  	_ =	shalt  }
0x57: {  	_ =	shalt  }
0x58: {  	_ =	shalt  }
0x59: {  	_ =	shalt  }
0x5a: {  	_ =	shalt  }
0x5b: {  	_ =	shalt  }
0x5c: {  	_ =	shalt  }
0x5d: {  	_ =	shalt  }
0x5e: {  	_ =	shalt  }
0x5f: {  	_ =	shalt  }
0x60: {  	_ =	shalt  }
0x61: {  	_ =	shalt  }
0x62: {  	_ =	shalt  }
0x63: {  	_ =	shalt  }
0x64: {  	_ =	shalt  }
0x65: {  	_ =	shalt  }
0x66: {  	_ =	shalt  }
0x67: {  	_ =	shalt  }
0x68: {  	_ =	shalt  }
0x69: {  	_ =	shalt  }
0x6a: {  	_ =	shalt  }
0x6b: {  	_ =	shalt  }
0x6c: {  	_ =	shalt  }
0x6d: {  	_ =	shalt  }
0x6e: {  	_ =	shalt  }
0x6f: {  	_ =	shalt  }
0x70: {  	_ =	shalt  }
0x71: {  	_ =	shalt  }
0x72: {  	_ =	shalt  }
0x73: {  	_ =	shalt  }
0x74: {  	_ =	shalt  }
0x75: {  	_ =	shalt  }
0x76: {  	_ =	shalt  }
0x77: {  	_ =	shalt  }
0x78: {  	_ =	shalt  }
0x79: {  	_ =	shalt  }
0x7a: {  	_ =	shalt  }
0x7b: {  	_ =	shalt  }
0x7c: {  	_ =	shalt  }
0x7d: {  	_ =	shalt  }
0x7e: {  	_ =	shalt  }
0x7f: {  	_ =	shalt  }
0x80: {  	_ =	shalt  }
0x81: {  	_ =	shalt  }
0x82: {  	_ =	shalt  }
0x83: {  	_ =	shalt  }
0x84: {  	_ =	shalt  }
0x85: {  	_ =	shalt  }
0x86: {  	_ =	shalt  }
0x87: {  	_ =	shalt  }
.Lfunc_end0:
.L_simem_size_0:
called_computation_lowered:
.L_overlay_start_0:
0x88: {  	s2 =	sld [smem:$0x3FD9]  }
0x89: {  	s3 =	sld [smem:$0x3FFE];
	_ =	sdelay $0x1  }
0x8a: {  	s1 =	srdreg.scid  }
0x8b: {  	s0 =	sand.u32 $0x1, s1  }
0x8c: {  	s16 =	sshll.u32 s0, $0xA;
	s2 =	sadd.s32 s3, s2  }
0x8d: {  	s2 =	sadd.s32 s2, s16  }
0x8e: {  	[smem:$0x3FBB] =	sst s2  }
0x8f: {  	_ = 	snop  }
0x90: {  	(tm) =	ssettm $0x1  }
0x91: {  	s17 =	sld [smem:$0x3FFB];
	_ =	sdelay $0x3  }
0x92: {  	_ =	strace s17  }
0x93: {  	s2 =	sld [smem:$0x3FFC];
	_ =	sdelay $0x3  }
0x94: {  	_ =	strace s2  }
0x95: {  	s2 =	sld [smem:$0x3FFD];
	_ =	sdelay $0x3  }
0x96: {  	_ =	strace s2  }
0x97: {  	_ =	strace $0x8FFFFFFF  }
0x98: {  	s18 =	sld [smem:$0x3FDB];
	_ =	sdelay $0x1  }
0x99: {  	s19 =	simm.s32 $_scs_section_size  }
0x9a: {  	s4 =	simm.s32 $_size__tile_overlayer_lowered;
	s5 =	simm.s32 $_tile_overlayer_lowered  }
0x9b: {  	s22 =	simm.s32 $0x1BFF;
	s21 =	sshll.u32 s5, $0x1;
	s2 =	sadd.s32 s19, s18  }
0x9c: {  	s6 =	simm.s32 $0x0;
	s20 =	sshll.u32 s4, $0x1;
	s4 =	sadd.s32 s21, s2  }
0x9d: {  	[timem:s6], [sflag:s22] =	dma.local [hbm:s4], s20  }
0x9e: {  	_ =	swait.ge [sflag:s22], s20  }
0x9f: {  	s3 =	ssub.s32 $0x0, s20;
	[sflag:s22] =	ssyncset.done $0x0  }
0xa0: {  	[sflag:s22] =	ssyncadd.s32 s3;
	_ =	sdelay $0x1  }
0xa1: {  	s23 =	simm.s32 $0x1B8B  }
0xa2: {  	_ =	swait.ge [sflag:s23], $0x1  }
0xa3: {  	[sflag:s23] =	ssyncset.done $0x0  }
0xa4: {  	s25 =	simm.s32 $0x1B8E;
	s24 =	sld [smem:$0x3FFE];
	[sflag:s23] =	ssyncadd.s32 $0xFFFFFFFF  }
0xa5: {  	s26 =	simm.s32 $execute0_lowered;
	[smem:$0x3FD2] =	sst s25  }
0xa6: {  	s4 =	sshll.u32 s26, $0x1;
	_ =	strace $0x80000046;
	[dreg:$0x1] =	wrdreg $0xFFFFFFFF  }
0xa7: {  	s28 =	simm.s32 $_size_execute0_lowered;
	s2 =	sadd.s32 s2, s4;
	[dreg:$0x0] =	wrdreg $0x0  }
0xa8: {  	s4 =	sshll.u32 s28, $0x1;
	[dreg:$0x2] =	wrdreg s2  }
0xa9: {  	[dreg:$0x3] =	wrdreg s4  }
0xaa: {  	[dreg:$0x4] =	wrdreg $0xC0  }
0xab: {  	_ =	task [dreg:s6], $0x5FFFF  }
0xac: {  	[dreg:$0x1] =	wrdreg $0xFFFFFFFF  }
0xad: {  	[dreg:$0x0] =	wrdreg $0x60  }
0xae: {  	[dreg:$0x2] =	wrdreg s24  }
0xaf: {  	[dreg:$0x3] =	wrdreg $0x9  }
0xb0: {  	_ =	task.clear_ibuf [dreg:s6], $0x4FFFF;
	_ =	strace $0x90000046  }
0xb1: {  	s29 =	simm.s32 $0x9;
	_ =	strace $0x80000048  }
0xb2: {  	_ =	swait.ge [sflag:s29], $0x1  }
0xb3: {  	[sflag:s29] =	ssyncadd.s32 $0xFFFFFFFF  }
0xb4: {  	_ =	strace $0x90000048  }
0xb5: {  	_ =	sfence  }
0xb6: {  	s30 =	sld [smem:$0x0];
	_ =	sdelay $0x2  }
0xb7: {  	s31 =	sshll.u32 s1, $0xD;
	s1 =	sshrl.u32 s1, $0x2  }
0xb8: {  	s3 =	sand.u32 $0x4000, s31;
	s1 =	sadd.s32 s1, s30  }
0xb9: {  	s0 =	sor.u32 s3, s0;
	s1 =	sshll.u32 s1, $0x11  }
0xba: {  	s0 =	sor.u32 s1, s0  }
0xbb: {  	s0 =	sadd.s32 $0x8F2B, s0  }
0xbc: {  	[sflag:s0] =	ssyncadd.remote.s32 $0x1  }
0xbd: {  	_ =	sfence.sel $0xFFFF  }
0xbe: {  	[dreg:$0x0] =	wrdreg $0xFFFFFFFF;
	(pc) =	sbr.abs _section_cstart, $3  }
0xbf: {  	[dreg:$0x1] =	wrdreg $0xFFFFFFFF  }
0xc0: {  	_ =	task.clear_ibuf [dreg:s6], $0x2FFFF;
	_ =	strace $0x9FFFFFFF  }
0xc1: {  	(tm) =	ssettm $0x7FFFFFFF  }
tec
execute0_lowered:
.L_overlay_start_1:
0x0: {  	(tag) =	ssettag $0x1  }
0x1: {  	s1 =	srdreg.scid  }
0x2: {  	s0 =	stileid.u32;
	s5 =	rddreg [dreg:$0x0];
	s2 =	simm.s32 $0x0  }
0x3: {  	s11 =	simm.s32 $0x3;
	s12 =	simm.s32 $0x80;
	s13 =	simm.s32 $0x100  }
0x4: {  	s14 =	simm.s32 $0x180;
	s15 =	simm.s32 $0x2180;
	s16 =	simm.s32 $0x1  }
0x5: {  	s17 =	simm.s32 $0x2;
	s18 =	simm.s32 $0x2980;
	s4 =	smul.u32 $0x1A00, s0  }
0x6: {  	s3 =	sand.u32 $0x1, s1;
	s1 =	rddreg [dreg:$0x1];
	s30 =	smul.u32 $0xD000, s0  }
0x7: {  	s19 =	simm.s32 $0x0;
	[smem:$0x7FF] =	sst s2;
	s6 =	smul.u32 $0xD00, s3  }
0x8: {  	v0 =	vlaneseq.u32;
	_ =	strace $0x80000047;
	s7 =	ssub.s32 $0x2, s3;
	s8 =	smul.u32 $0x6800, s3  }
0x9: {  	v0 =	vmul.u32 $0x10, v0;
	s3 =	sadd.s32 $0x27B7800, s5;
	s9 =	sshrl.u32 s7, $0x1;
	s4 =	sadd.s32 s6, s4  }
0xa: {  	s6 =	sadd.s32 s30, s5;
	s31 =	ssub.s32 s7, s9;
	s4 =	sshrl.u32 s4, $0x3  }
0xb: {  	v1 =	vor.u32 $0x100, v0;
	s6 =	sadd.s32 s8, s6;
	s10 =	sadd.s32 s4, s5;
	s4 =	sadd.s32 $0xB400, s5  }
0xc: {  	v2 =	vor.u32 $0x200, v0;
	v3 =	vor.u32 $0x300, v0;
	v4 =	vor.u32 $0x400, v0;
	s5 =	smax.u32 s31, $0x1;
	s6 =	sadd.s32 $0x5AA00, s6;
	s7 =	sadd.s32 $0x12AA00, s10  }
0xd: {  	v5 =	vor.u32 $0x500, v0;
	v6 =	vor.u32 $0x600, v0;
	v7 =	vor.u32 $0x700, v0;
	s8 =	sadd.s32 $0x4C00, s10;
	s9 =	sadd.s32 $0x8000, s10;
	s10 =	sadd.s32 $0x1800, s10  }
.LBB2_1:
0xe: {  	s20 =	sadd.s32 $0x0, s10  }
0xf: {  	[tilespmem:s2], [sflag:$0x3] =	stream.linear.gather [hbm4b:s20+s2], $0x80, $0x38;
	[tilespmem:$0x2A00] =	vst v63  }
0x10: {  	_ =	swait.ge [sflag:s11], $0x80  }
0x11: {  	[sflag:s11] =	ssyncset.done $0x0  }
0x12: {  	s29 =	sadd.s32 $0x0, s9;
	[sflag:s11] =	ssyncadd.s32 $0xFFFFFF80  }
0x13: {  	[tilespmem:s12], [sflag:$0x3] =	stream.linear.gather [hbm4b:s29+s2], $0x80, $0x38;
	[tilespmem:$0x2A00] =	vst v63  }
0x14: {  	_ =	swait.ge [sflag:s11], $0x80  }
0x15: {  	[sflag:s11] =	ssyncset.done $0x0  }
0x16: {  	s30 =	sadd.s32 $0x0, s8;
	[sflag:s11] =	ssyncadd.s32 $0xFFFFFF80  }
0x17: {  	[tilespmem:s13], [sflag:$0x3] =	stream.linear.gather [hbm4b:s30+s2], $0x80, $0x38;
	[tilespmem:$0x2A00] =	vst v63  }
0x18: {  	_ =	swait.ge [sflag:s11], $0x80  }
0x19: {  	[sflag:s11] =	ssyncset.done $0x0  }
0x1a: {  	[sflag:s11] =	ssyncadd.s32 $0xFFFFFF80  }
0x1b: {  	[tilespmem:s14], [sflag:$0x1] =	stream.indirect.gather [hbm4b:s3+s12], $0x40, s2, s12, $0xb8;
	[tilespmem:$0x2A00] =	vst v63  }
0x1c: {  	_ = 	snop  }
0x1d: {  	[tilespmem:s15], [sflag:$0x2] =	stream.indirect.gather [hbm4b:s4+s12], $0x10, s12, s12, $0xb8;
	[tilespmem:$0x2A00] =	vst v63  }
0x1e: {  	_ =	swait.ge [sflag:s16], $0x2000  }
0x1f: {  	[sflag:s16] =	ssyncset.done $0x0  }
0x20: {  	[sflag:s16] =	ssyncadd.s32 $0xFFFFE000  }
0x21: {  	_ =	swait.ge [sflag:s17], $0x800  }
0x22: {  	[sflag:s17] =	ssyncset.done $0x0  }
0x23: {  	[sflag:s17] =	ssyncadd.s32 $0xFFFFF800  }
0x24: {  	v8 =	vld [tilespmem:$0x100];
	_ =	sdelay $0x4  }
0x25: {  	v8 =	vadd.s32 v0, v8  }
0x26: {  	v9 =	vld [tilespmem:$0x110];
	_ =	sdelay $0x3  }
0x27: {  	v8 =	vld.idx.msk [tilespmem:v8+s15+$0x0], $0xffff  }
0x28: {  	v9 =	vadd.s32 v1, v9  }
0x29: {  	v10 =	vld [tilespmem:$0x120];
	_ =	sdelay $0x2  }
0x2a: {  	[tilespmem:$0x2980] =	vst v8  }
0x2b: {  	v8 =	vld.idx.msk [tilespmem:v9+s15+$0x0], $0xffff  }
0x2c: {  	v53 =	vadd.s32 v2, v10  }
0x2d: {  	v54 =	vld [tilespmem:$0x130];
	_ =	sdelay $0x2  }
0x2e: {  	[tilespmem:$0x2990] =	vst v8  }
0x2f: {  	v8 =	vld.idx.msk [tilespmem:v53+s15+$0x0], $0xffff  }
0x30: {  	v55 =	vadd.s32 v3, v54  }
0x31: {  	v56 =	vld [tilespmem:$0x140];
	_ =	sdelay $0x2  }
0x32: {  	[tilespmem:$0x29A0] =	vst v8  }
0x33: {  	v8 =	vld.idx.msk [tilespmem:v55+s15+$0x0], $0xffff  }
0x34: {  	v57 =	vadd.s32 v4, v56  }
0x35: {  	v58 =	vld [tilespmem:$0x150];
	_ =	sdelay $0x2  }
0x36: {  	[tilespmem:$0x29B0] =	vst v8  }
0x37: {  	v8 =	vld.idx.msk [tilespmem:v57+s15+$0x0], $0xffff  }
0x38: {  	v59 =	vadd.s32 v5, v58  }
0x39: {  	v60 =	vld [tilespmem:$0x160];
	_ =	sdelay $0x2  }
0x3a: {  	[tilespmem:$0x29C0] =	vst v8  }
0x3b: {  	v8 =	vld.idx.msk [tilespmem:v59+s15+$0x0], $0xffff  }
0x3c: {  	v61 =	vadd.s32 v6, v60  }
0x3d: {  	v62 =	vld [tilespmem:$0x170];
	_ =	sdelay $0x2  }
0x3e: {  	[tilespmem:$0x29D0] =	vst v8  }
0x3f: {  	v8 =	vld.idx.msk [tilespmem:v61+s15+$0x0], $0xffff  }
0x40: {  	v63 =	vadd.s32 v7, v62;
	_ =	sdelay $0x3  }
0x41: {  	[tilespmem:$0x29E0] =	vst v8  }
0x42: {  	v8 =	vld.idx.msk [tilespmem:v63+s15+$0x0], $0xffff;
	_ =	sdelay $0x4  }
0x43: {  	[tilespmem:$0x29F0] =	vst v8  }
0x44: {  	[hbm4b:s6+s2] =	stream.linear.scatter [tilespmem:s14], [sflag:$0x3], $0x2000, $0x38;
	[tilespmem:$0x2A00] =	vst v63  }
0x45: {  	_ =	swait.ge [sflag:s11], $0x2000  }
0x46: {  	[sflag:s11] =	ssyncset.done $0x0  }
0x47: {  	s31 =	sadd.s32 $0x0, s7;
	[sflag:s11] =	ssyncadd.s32 $0xFFFFE000  }
0x48: {  	[hbm4b:s31+s2] =	stream.linear.scatter [tilespmem:s18], [sflag:$0x3], $0x80, $0x38;
	[tilespmem:$0x2A00] =	vst v63  }
0x49: {  	s24 =	simm.s32 $0x20;
	_ =	swait.ge [sflag:s11], $0x80  }
0x4a: {  	s21 =	sadd.s32 $0x400, s6;
	s20 =	simm.s32 $0x10;
	[sflag:s11] =	ssyncset.done $0x0  }
.LBB2_2:
0x4b: {  	s25 =	sadd.s32 s20, s10  }
0x4c: {  	[sflag:s11] =	ssyncadd.s32 $0xFFFFFF80;
	s23 =	smov.u32 s24;
	s22 =	sadd.s32 $0x10, s24  }
0x4d: {  	[tilespmem:s2], [sflag:$0x3] =	stream.linear.gather [hbm4b:s25+s2], $0x80, $0x38;
	[tilespmem:$0x2A00] =	vst v63  }
0x4e: {  	p0 =	sne.s32 s24, $0x190;
	_ =	swait.ge [sflag:s11], $0x80  }
0x4f: {  	[sflag:s11] =	ssyncset.done $0x0  }
0x50: {  	s24 =	sadd.s32 s20, s9;
	[sflag:s11] =	ssyncadd.s32 $0xFFFFFF80  }
0x51: {  	[tilespmem:s12], [sflag:$0x3] =	stream.linear.gather [hbm4b:s24+s2], $0x80, $0x38;
	[tilespmem:$0x2A00] =	vst v63  }
0x52: {  	_ =	swait.ge [sflag:s11], $0x80  }
0x53: {  	[sflag:s11] =	ssyncset.done $0x0  }
0x54: {  	s24 =	sadd.s32 s20, s8;
	[sflag:s11] =	ssyncadd.s32 $0xFFFFFF80  }
0x55: {  	[tilespmem:s13], [sflag:$0x3] =	stream.linear.gather [hbm4b:s24+s2], $0x80, $0x38;
	[tilespmem:$0x2A00] =	vst v63  }
0x56: {  	_ =	swait.ge [sflag:s11], $0x80  }
0x57: {  	[sflag:s11] =	ssyncset.done $0x0  }
0x58: {  	[sflag:s11] =	ssyncadd.s32 $0xFFFFFF80  }
0x59: {  	[tilespmem:s14], [sflag:$0x1] =	stream.indirect.gather [hbm4b:s3+s12], $0x40, s2, s12, $0xb8;
	[tilespmem:$0x2A00] =	vst v63  }
0x5a: {  	_ = 	snop  }
0x5b: {  	[tilespmem:s15], [sflag:$0x2] =	stream.indirect.gather [hbm4b:s4+s12], $0x10, s12, s12, $0xb8;
	[tilespmem:$0x2A00] =	vst v63  }
0x5c: {  	_ =	swait.ge [sflag:s16], $0x2000  }
0x5d: {  	[sflag:s16] =	ssyncset.done $0x0  }
0x5e: {  	[sflag:s16] =	ssyncadd.s32 $0xFFFFE000  }
0x5f: {  	_ =	swait.ge [sflag:s17], $0x800  }
0x60: {  	[sflag:s17] =	ssyncset.done $0x0  }
0x61: {  	[sflag:s17] =	ssyncadd.s32 $0xFFFFF800  }
0x62: {  	v8 =	vld [tilespmem:$0x100]  }
0x63: {  	v9 =	vld [tilespmem:$0x110]  }
0x64: {  	v10 =	vld [tilespmem:$0x120]  }
0x65: {  	v11 =	vld [tilespmem:$0x130]  }
0x66: {  	v12 =	vld [tilespmem:$0x140]  }
0x67: {  	v8 =	vadd.s32 v0, v8;
	v13 =	vld [tilespmem:$0x150]  }
0x68: {  	v14 =	vld [tilespmem:$0x160]  }
0x69: {  	v15 =	vld [tilespmem:$0x170];
	_ =	sdelay $0x2  }
0x6a: {  	v8 =	vld.idx.msk [tilespmem:v8+s15+$0x0], $0xffff;
	_ =	sdelay $0x1  }
0x6b: {  	v9 =	vadd.s32 v1, v9;
	_ =	sdelay $0x3  }
0x6c: {  	[tilespmem:$0x2980] =	vst v8  }
0x6d: {  	v8 =	vld.idx.msk [tilespmem:v9+s15+$0x0], $0xffff;
	_ =	sdelay $0x1  }
0x6e: {  	v9 =	vadd.s32 v2, v10;
	_ =	sdelay $0x3  }
0x6f: {  	[tilespmem:$0x2990] =	vst v8  }
0x70: {  	v8 =	vld.idx.msk [tilespmem:v9+s15+$0x0], $0xffff;
	_ =	sdelay $0x1  }
0x71: {  	v9 =	vadd.s32 v3, v11;
	_ =	sdelay $0x3  }
0x72: {  	[tilespmem:$0x29A0] =	vst v8  }
0x73: {  	v8 =	vld.idx.msk [tilespmem:v9+s15+$0x0], $0xffff;
	_ =	sdelay $0x1  }
0x74: {  	v9 =	vadd.s32 v4, v12;
	_ =	sdelay $0x3  }
0x75: {  	[tilespmem:$0x29B0] =	vst v8  }
0x76: {  	v8 =	vld.idx.msk [tilespmem:v9+s15+$0x0], $0xffff;
	_ =	sdelay $0x1  }
0x77: {  	v9 =	vadd.s32 v5, v13;
	_ =	sdelay $0x3  }
0x78: {  	[tilespmem:$0x29C0] =	vst v8  }
0x79: {  	v8 =	vld.idx.msk [tilespmem:v9+s15+$0x0], $0xffff;
	_ =	sdelay $0x1  }
0x7a: {  	v9 =	vadd.s32 v6, v14;
	_ =	sdelay $0x3  }
0x7b: {  	[tilespmem:$0x29D0] =	vst v8  }
0x7c: {  	v8 =	vld.idx.msk [tilespmem:v9+s15+$0x0], $0xffff;
	_ =	sdelay $0x1  }
0x7d: {  	v9 =	vadd.s32 v7, v15;
	_ =	sdelay $0x3  }
0x7e: {  	[tilespmem:$0x29E0] =	vst v8  }
0x7f: {  	v8 =	vld.idx.msk [tilespmem:v9+s15+$0x0], $0xffff;
	_ =	sdelay $0x5  }
0x80: {  	[tilespmem:$0x29F0] =	vst v8  }
0x81: {  	[hbm4b:s21+s2] =	stream.linear.scatter [tilespmem:s14], [sflag:$0x3], $0x2000, $0x38;
	[tilespmem:$0x2A00] =	vst v63  }
0x82: {  	_ =	swait.ge [sflag:s11], $0x2000  }
.Ltmp0:
0x83: {  	[sflag:s11] =	ssyncset.done $0x0;
	(pc) =	sbr.rel @p0 .LBB2_2-.Ltmp0, $4  }
0x84: {  	s24 =	sadd.s32 s20, s7;
	s20 =	smov.u32 s23;
	[sflag:s11] =	ssyncadd.s32 $0xFFFFE000  }
0x85: {  	[hbm4b:s24+s2] =	stream.linear.scatter [tilespmem:s18], [sflag:$0x3], $0x80, $0x38;
	[tilespmem:$0x2A00] =	vst v63  }
0x86: {  	_ =	swait.ge [sflag:s11], $0x80  }
0x87: {  	s21 =	sadd.s32 $0x400, s21;
	s24 =	smov.u32 s22;
	[sflag:s11] =	ssyncset.done $0x0  }
0x88: {  	s22 =	sadd.s32 s20, s10;
	[sflag:s11] =	ssyncadd.s32 $0xFFFFFF80  }
0x89: {  	[tilespmem:s2], [sflag:$0x3] =	stream.linear.gather [hbm4b:s22+s2], $0x80, $0x38;
	[tilespmem:$0x2A00] =	vst v63  }
0x8a: {  	_ =	swait.ge [sflag:s11], $0x80  }
0x8b: {  	[sflag:s11] =	ssyncset.done $0x0  }
0x8c: {  	s29 =	sadd.s32 s20, s9;
	[sflag:s11] =	ssyncadd.s32 $0xFFFFFF80  }
0x8d: {  	[tilespmem:s12], [sflag:$0x3] =	stream.linear.gather [hbm4b:s29+s2], $0x80, $0x38;
	[tilespmem:$0x2A00] =	vst v63  }
0x8e: {  	_ =	swait.ge [sflag:s11], $0x80  }
0x8f: {  	[sflag:s11] =	ssyncset.done $0x0  }
0x90: {  	s30 =	sadd.s32 s20, s8;
	[sflag:s11] =	ssyncadd.s32 $0xFFFFFF80  }
0x91: {  	[tilespmem:s13], [sflag:$0x3] =	stream.linear.gather [hbm4b:s30+s2], $0x80, $0x38;
	[tilespmem:$0x2A00] =	vst v63  }
0x92: {  	_ =	swait.ge [sflag:s11], $0x80  }
0x93: {  	[sflag:s11] =	ssyncset.done $0x0  }
0x94: {  	[sflag:s11] =	ssyncadd.s32 $0xFFFFFF80  }
0x95: {  	[tilespmem:s14], [sflag:$0x1] =	stream.indirect.gather [hbm4b:s3+s12], $0x40, s2, s12, $0xb8;
	[tilespmem:$0x2A00] =	vst v63  }
0x96: {  	_ = 	snop  }
0x97: {  	[tilespmem:s15], [sflag:$0x2] =	stream.indirect.gather [hbm4b:s4+s12], $0x10, s12, s12, $0xb8;
	[tilespmem:$0x2A00] =	vst v63  }
0x98: {  	_ =	swait.ge [sflag:s16], $0x2000  }
0x99: {  	[sflag:s16] =	ssyncset.done $0x0  }
0x9a: {  	[sflag:s16] =	ssyncadd.s32 $0xFFFFE000  }
0x9b: {  	_ =	swait.ge [sflag:s17], $0x800  }
0x9c: {  	[sflag:s17] =	ssyncset.done $0x0  }
0x9d: {  	[sflag:s17] =	ssyncadd.s32 $0xFFFFF800  }
0x9e: {  	v8 =	vld [tilespmem:$0x100];
	_ =	sdelay $0x4  }
0x9f: {  	v8 =	vadd.s32 v0, v8  }
0xa0: {  	v9 =	vld [tilespmem:$0x110];
	_ =	sdelay $0x3  }
0xa1: {  	v8 =	vld.idx.msk [tilespmem:v8+s15+$0x0], $0xffff  }
0xa2: {  	v9 =	vadd.s32 v1, v9  }
0xa3: {  	v10 =	vld [tilespmem:$0x120];
	_ =	sdelay $0x2  }
0xa4: {  	[tilespmem:$0x2980] =	vst v8  }
0xa5: {  	v8 =	vld.idx.msk [tilespmem:v9+s15+$0x0], $0xffff  }
0xa6: {  	v53 =	vadd.s32 v2, v10  }
0xa7: {  	v54 =	vld [tilespmem:$0x130];
	_ =	sdelay $0x2  }
0xa8: {  	[tilespmem:$0x2990] =	vst v8  }
0xa9: {  	v8 =	vld.idx.msk [tilespmem:v53+s15+$0x0], $0xffff  }
0xaa: {  	v55 =	vadd.s32 v3, v54  }
0xab: {  	v56 =	vld [tilespmem:$0x140];
	_ =	sdelay $0x2  }
0xac: {  	[tilespmem:$0x29A0] =	vst v8  }
0xad: {  	v8 =	vld.idx.msk [tilespmem:v55+s15+$0x0], $0xffff  }
0xae: {  	v57 =	vadd.s32 v4, v56  }
0xaf: {  	v58 =	vld [tilespmem:$0x150];
	_ =	sdelay $0x2  }
0xb0: {  	[tilespmem:$0x29B0] =	vst v8  }
0xb1: {  	v8 =	vld.idx.msk [tilespmem:v57+s15+$0x0], $0xffff  }
0xb2: {  	v59 =	vadd.s32 v5, v58  }
0xb3: {  	v60 =	vld [tilespmem:$0x160];
	_ =	sdelay $0x2  }
0xb4: {  	[tilespmem:$0x29C0] =	vst v8  }
0xb5: {  	v8 =	vld.idx.msk [tilespmem:v59+s15+$0x0], $0xffff  }
0xb6: {  	v61 =	vadd.s32 v6, v60  }
0xb7: {  	v62 =	vld [tilespmem:$0x170];
	_ =	sdelay $0x2  }
0xb8: {  	[tilespmem:$0x29D0] =	vst v8  }
0xb9: {  	v8 =	vld.idx.msk [tilespmem:v61+s15+$0x0], $0xffff  }
0xba: {  	v63 =	vadd.s32 v7, v62;
	_ =	sdelay $0x3  }
0xbb: {  	[tilespmem:$0x29E0] =	vst v8  }
0xbc: {  	v8 =	vld.idx.msk [tilespmem:v63+s15+$0x0], $0xffff;
	_ =	sdelay $0x4  }
0xbd: {  	[tilespmem:$0x29F0] =	vst v8  }
0xbe: {  	[hbm4b:s21+s2] =	stream.linear.scatter [tilespmem:s14], [sflag:$0x3], $0x2000, $0x38;
	[tilespmem:$0x2A00] =	vst v63  }
0xbf: {  	s19 =	sadd.s32 $0x1, s19;
	_ =	swait.ge [sflag:s11], $0x2000  }
0xc0: {  	p0 =	sne.s32 s19, s5;
	[sflag:s11] =	ssyncset.done $0x0  }
.Ltmp1:
0xc1: {  	s31 =	sadd.s32 s20, s7;
	[sflag:s11] =	ssyncadd.s32 $0xFFFFE000;
	(pc) =	sbr.rel @p0 .LBB2_1-.Ltmp1, $4  }
0xc2: {  	[hbm4b:s31+s2] =	stream.linear.scatter [tilespmem:s18], [sflag:$0x3], $0x80, $0x38;
	[tilespmem:$0x2A00] =	vst v63  }
0xc3: {  	_ =	swait.ge [sflag:s11], $0x80  }
0xc4: {  	[sflag:s11] =	ssyncset.done $0x0  }
0xc5: {  	[sflag:s11] =	ssyncadd.s32 $0xFFFFFF80  }
0xc6: {  	_ =	sfence.sel $0x180000  }
0xc7: {  	[bflag:$0x0] =	sbarrier.arrive $0xFFFF  }
0xc8: {  	p0 =	sne.s32 s0, $0x0;
	_ =	strace $0x90000047  }
0xc9: {  	s0 =	sadd.s32 @!p0 $0x100000, s1;
	[bflag:$0x2] =	sbarrier.arrive $0xFFFF  }
0xca: {  	[sflag:s0] =	ssyncadd.tile.s32 @!p0 $0x1;
	_ =	shalt  }
.Lfunc_end2:
_tile_overlayer_lowered:
.L_overlay_start_2:
0xcb: {  	(tag) =	ssettag $0x2  }
0xcc: {  	s0 =	rddreg [dreg:$0x0];
	s2 =	stileid.u32  }
0xcd: {  	s1 =	rddreg [dreg:$0x1];
	p0 =	sne.s32 s2, $0x0  }
0xce: {  	s3 =	rddreg [dreg:$0x2];
	[bflag:$0x3] =	sbarrier.arrive $0xFFFF;
	s2 =	simm.s32 @!p0 $0x1C03  }
0xcf: {  	[timem:s3], [sflag:s2] =	dma.local @!p0 [hbm:s0], s1  }
0xd0: {  	s0 =	simm.s32 @!p0 $0x3  }
0xd1: {  	_ =	swait.ge @!p0 [sflag:s0], s1  }
0xd2: {  	s1 =	ssub.s32 @!p0 $0x0, s1;
	[sflag:s0] =	ssyncset.done @!p0 $0x0  }
0xd3: {  	[sflag:s0] =	ssyncadd.s32 @!p0 s1  }
0xd4: {  	[bflag:$0x3] =	sbarrier.arrive $0xFFFF  }
0xd5: {  	_ =	shalt  }

</sc_bundles>
